<compile_context>
chip_gen: v7x
topology: tpu7x:2x2x1
jax: 0.10.2.dev20260603
libtpu: 0.0.44.dev20260713+nightly
codegen_flags: <defaults>
</compile_context>

<pallas_src>
import functools

import jax
import jax.numpy as jnp
import numpy as np
from jax import lax
from jax.experimental import pallas as pl
from jax.experimental.pallas import tpu as pltpu
from jax.experimental.pallas import tpu_sc as plsc

_R = 3
_ND = 2 * _R + 1
_D_BM = _ND * _ND
_ND_TOT = _D_BM + 1
_K = 16
_HB = 8
_RANK_SENTINEL = 1 << 29


def _spiral_perm_np(r):
    n = 2 * r + 1
    order = [(0, 0)]
    x = y = 0
    dx, dy = 1, 0
    step = 1
    while len(order) < n * n:
        for _ in range(2):
            for _ in range(step):
                x += dx
                y += dy
                if abs(x) <= r and abs(y) <= r:
                    order.append((y, x))
            dx, dy = -dy, dx
        step += 1
    flat = [(yy + r) * n + (xx + r) for (yy, xx) in order]
    return np.array(flat, dtype=np.int32)


def _luts(w):
    perm = _spiral_perm_np(_R)
    rank = np.full((_ND_TOT,), float(_RANK_SENTINEL), dtype=np.float32)
    rank[perm] = np.arange(_D_BM, dtype=np.float32)
    rank_w = np.tile(rank[:, None], (1, w))
    perm_pad = np.zeros((64,), dtype=np.int32)
    perm_pad[: _D_BM] = perm
    rng = np.arange(-_R, _R + 1)
    jj, ii = np.meshgrid(rng, rng, indexing="ij")
    vl = (-1.0 * np.stack([jj, ii], axis=-1).reshape(-1, 2)).astype(np.float16)
    vl_pad = np.zeros((64, 2), dtype=np.float16)
    vl_pad[: _D_BM] = vl
    veclut_i32 = np.ascontiguousarray(vl_pad).view(np.int32).reshape(64)
    return list(int(v) for v in perm), rank_w, perm_pad, veclut_i32


def _f16_bits_to_f32(b32):
    f = lax.bitcast_convert_type(lax.shift_left(b32, 13), jnp.float32)
    return f * jnp.float32(5.192296858534828e33)


def _make_tc_body(perm_list, w):
    def body(w1_ref, w2_ref, rank_ref, minkey_ref, cost49_ref, tmpl_ref):
        bits1 = w1_ref[...].reshape(_HB, _ND_TOT, _K, w)
        v1 = _f16_bits_to_f32(bits1.astype(jnp.int32))
        v2 = _f16_bits_to_f32(w2_ref[...].astype(jnp.int32))
        diff = jnp.abs(v1 - v2[:, None])
        cost = jnp.sum(diff, axis=2)
        keys = cost * 64.0 + rank_ref[...][None]
        minkey = jnp.min(keys, axis=1).astype(jnp.int32)
        cost49 = cost[:, _D_BM].astype(jnp.int32)
        minkey_ref[...] = minkey
        cost49_ref[...] = cost49
        rankv = jnp.bitwise_and(minkey, 63)
        costbm = lax.shift_right_logical(minkey, 6)
        idxbm = jnp.full_like(rankv, perm_list[0])
        for s in range(1, _D_BM):
            idxbm = jnp.where(rankv == s, perm_list[s], idxbm)
        minidx = jnp.where(cost49 < costbm, _D_BM, idxbm)
        acc = jnp.zeros((_HB, _K, w), jnp.int16)
        for d in range(_ND_TOT):
            acc = jnp.where((minidx == d)[:, None, :], bits1[:, d], acc)
        tmpl_ref[...] = acc
    return body


def _tc_stage(w1p, w2p, rank_w, perm_list, nbh, w):
    grid = (nbh // _HB,)
    return pl.pallas_call(
        _make_tc_body(perm_list, w),
        grid=grid,
        in_specs=[
            pl.BlockSpec((_HB * _ND_TOT, _K, w), lambda i: (i, 0, 0)),
            pl.BlockSpec((_HB, _K, w), lambda i: (i, 0, 0)),
            pl.BlockSpec((_ND_TOT, w), lambda i: (0, 0)),
        ],
        out_specs=[
            pl.BlockSpec((_HB, w), lambda i: (i, 0)),
            pl.BlockSpec((_HB, w), lambda i: (i, 0)),
            pl.BlockSpec((_HB, _K, w), lambda i: (i, 0, 0)),
        ],
        out_shape=[
            jax.ShapeDtypeStruct((nbh, w), jnp.int32),
            jax.ShapeDtypeStruct((nbh, w), jnp.int32),
            jax.ShapeDtypeStruct((nbh, _K, w), jnp.int16),
        ],
        compiler_params=pltpu.CompilerParams(
            dimension_semantics=("parallel",)),
    )(w1p, w2p, rank_w)


def _sc_stage(minkey, cost49, perm_lut, vec_lut, n):
    nw = 32
    ch = n // nw
    g = ch // 16
    mesh = plsc.VectorSubcoreMesh(core_axis_name="c", subcore_axis_name="s")

    @functools.partial(
        pl.kernel,
        out_type=(
            jax.ShapeDtypeStruct((n,), jnp.int32),
            jax.ShapeDtypeStruct((n,), jnp.int32),
            jax.ShapeDtypeStruct((n,), jnp.int32),
        ),
        mesh=mesh,
        scratch_types=[
            pltpu.VMEM((64,), jnp.int32),
            pltpu.VMEM((64,), jnp.int32),
            pltpu.VMEM((ch,), jnp.int32),
            pltpu.VMEM((ch,), jnp.int32),
            pltpu.VMEM((ch,), jnp.int32),
            pltpu.VMEM((ch,), jnp.int32),
            pltpu.VMEM((ch,), jnp.int32),
        ],
        compiler_params=pltpu.CompilerParams(needs_layout_passes=False,
                                             use_tc_tiling_on_sc=False),
    )
    def sc_kernel(minkey_hbm, cost49_hbm, perm_hbm, veclut_hbm,
                  vec_out, mask_out, cost_out,
                  perm_v, veclut_v, mk_v, c49_v, vecb, maskb, costb):
        wid = lax.axis_index("s") * 2 + lax.axis_index("c")
        base = wid * ch
        pltpu.sync_copy(perm_hbm, perm_v)
        pltpu.sync_copy(veclut_hbm, veclut_v)
        pltpu.sync_copy(minkey_hbm.at[pl.ds(base, ch)], mk_v)
        pltpu.sync_copy(cost49_hbm.at[pl.ds(base, ch)], c49_v)

        def body(j, carry):
            sl = pl.ds(j * 16, 16)
            ki = mk_v[sl]
            rankv = jnp.bitwise_and(ki, 63)
            costbm = lax.shift_right_logical(ki, 6)
            idxbm = plsc.load_gather(perm_v, [rankv])
            c49 = c49_v[sl]
            mv = (c49 < costbm).astype(jnp.int32)
            vecb[sl] = plsc.load_gather(veclut_v, [idxbm])
            maskb[sl] = mv
            costb[sl] = jnp.minimum(costbm, c49)
            return carry

        lax.fori_loop(0, g, body, 0)
        pltpu.sync_copy(vecb, vec_out.at[pl.ds(base, ch)])
        pltpu.sync_copy(maskb, mask_out.at[pl.ds(base, ch)])
        pltpu.sync_copy(costb, cost_out.at[pl.ds(base, ch)])

    return sc_kernel(minkey, cost49, perm_lut, vec_lut)


def kernel(w1, w2):
    b, h, w, nd, k = w1.shape
    n = b * h * w
    nbh = b * h
    perm_list, rank_w, perm_pad, veclut_i32 = _luts(w)

    w1i = lax.bitcast_convert_type(w1, jnp.int16)
    w1p = jnp.transpose(w1i, (0, 1, 3, 4, 2)).reshape(nbh * nd, k, w)
    w2i = lax.bitcast_convert_type(w2, jnp.int16)
    w2p = jnp.transpose(w2i, (0, 1, 3, 4, 2)).reshape(nbh, k, w)

    minkey2d, cost492d, tmpl = _tc_stage(
        w1p, w2p, jnp.asarray(rank_w), perm_list, nbh, w)

    vec_i32, mask_i32, mincost = _sc_stage(
        minkey2d.reshape(n), cost492d.reshape(n),
        jnp.asarray(perm_pad), jnp.asarray(veclut_i32), n)

    vector = lax.bitcast_convert_type(vec_i32, jnp.float16).reshape(b, h, w, 2)
    tmpl_f16 = lax.bitcast_convert_type(tmpl, jnp.float16)
    min_templates = jnp.transpose(
        tmpl_f16.reshape(b, h, k, w), (0, 1, 3, 2)).reshape(b, h, w, 1, k)
    input_mv_mask = (mask_i32 > 0).reshape(b, h, w, 1)
    min_cost = mincost.reshape(b, h, w, 1)
    return (vector, min_templates, input_mv_mask, min_cost)

# --- scband reference (transcript-rebuilt; emitter-appended) ---
"""Pipeline reference for scband-calculate-vector-45930380264074 (READ-ONLY COPY).

The authoritative reference and input builder live on the scoring server;
editing this copy changes nothing except your own understanding.
"""

import jax, jax.numpy as jnp
import numpy as np

SEARCH_RANGE = 3


def _spiral_perm(r):
    # spiral order starting at center (0,0), covering the (2r+1)x(2r+1) grid
    n = 2 * r + 1
    order = [(0, 0)]
    x = y = 0
    dx, dy = 1, 0
    step = 1
    while len(order) < n * n:
        for _ in range(2):
            for _ in range(step):
                x += dx
                y += dy
                if abs(x) <= r and abs(y) <= r:
                    order.append((y, x))
            dx, dy = -dy, dx
        step += 1
    flat = [(yy + r) * n + (xx + r) for (yy, xx) in order]
    return np.array(flat, dtype=np.int32)


def _argmin_centered_spiral(cost, r):
    # argmin over last dim with ties broken in favor of displacements
    # closest to the center (spiral ordering, center first)
    perm = jnp.asarray(_spiral_perm(r))
    cost_perm = cost[..., perm]
    k = jnp.argmin(cost_perm, axis=-1)  # first occurrence wins -> centered tiebreak
    return perm[k]


def setup_inputs(seed: int = 0) -> dict:
    key = jax.random.key(seed)
    k1, k2 = jax.random.split(key)
    w1 = jax.random.randint(k1, (2, 160, 160, 50, 16), 0, 256).astype(jnp.float16)
    w2 = jax.random.randint(k2, (2, 160, 160, 1, 16), 0, 256).astype(jnp.float16)
    return {"w1": w1, "w2": w2}


def reference(w1, w2):
    r = SEARCH_RANGE
    B, H, W, _, K2 = w1.shape
    w1_i16 = w1.astype(jnp.int16)
    w2_i16 = w2.astype(jnp.int16)
    rng = jnp.arange(-r, r + 1)
    jj, ii = jnp.meshgrid(rng, rng, indexing='ij')
    vec_lut = (-1.0 * jnp.stack([jj, ii], axis=-1).reshape(-1, 2)).astype(jnp.float16)
    diff = jnp.abs(w1_i16 - w2_i16)
    cost_volume_i32 = jnp.sum(diff.astype(jnp.int32), axis=-1)  # [B,H,W,D]
    input_mv_idx = (2 * r + 1) ** 2
    min_idx_block_match = _argmin_centered_spiral(cost_volume_i32[..., :input_mv_idx], r)
    min_idx_block_match = min_idx_block_match.astype(jnp.int32)[..., None]  # [B,H,W,1]
    min_cost_block_match = jnp.take_along_axis(cost_volume_i32, min_idx_block_match, axis=3)
    last_dim = cost_volume_i32.shape[-1]
    has_input_mv = (last_dim - 1 == input_mv_idx)
    if has_input_mv:
        cost_at_input_mv = cost_volume_i32[..., -1:]
        input_mv_mask = cost_at_input_mv < min_cost_block_match
        input_mv_idx_tensor = jnp.full_like(min_idx_block_match, input_mv_idx)
        min_idx = jnp.where(input_mv_mask, input_mv_idx_tensor, min_idx_block_match)
        min_cost_volume = jnp.minimum(cost_at_input_mv, min_cost_block_match)
    else:
        input_mv_mask = jnp.zeros_like(min_cost_block_match, dtype=bool)
        min_idx = min_idx_block_match
        min_cost_volume = min_cost_block_match
    vector = vec_lut[min_idx_block_match[..., 0]]  # [B,H,W,2]
    idx = jnp.broadcast_to(min_idx[..., None], (B, H, W, 1, K2))
    min_templates = jnp.take_along_axis(w1, idx, axis=3)  # [B,H,W,1,K2]
    return (vector, min_templates, input_mv_mask, min_cost_volume)

if __name__ == "__main__":
    import jax
    _d = setup_inputs()
    print(jax.jit(kernel)(*tuple(_d.values())))

</pallas_src>

<mosaic_0001>
#map = affine_map<(d0, d1) -> (0)>
module attributes {stable_mosaic.version = 14 : i64} {
  func.func @sc_kernel(%arg0: i32, %arg1: i32, %arg2: memref<51200xi32, #tpu.memory_space<hbm>>, %arg3: memref<51200xi32, #tpu.memory_space<hbm>>, %arg4: memref<64xi32, #tpu.memory_space<hbm>>, %arg5: memref<64xi32, #tpu.memory_space<hbm>>, %arg6: memref<51200xi32, #tpu.memory_space<hbm>>, %arg7: memref<51200xi32, #tpu.memory_space<hbm>>, %arg8: memref<51200xi32, #tpu.memory_space<hbm>>, %arg9: memref<64xi32, #tpu.memory_space<vmem>>, %arg10: memref<64xi32, #tpu.memory_space<vmem>>, %arg11: memref<1600xi32, #tpu.memory_space<vmem>>, %arg12: memref<1600xi32, #tpu.memory_space<vmem>>, %arg13: memref<1600xi32, #tpu.memory_space<vmem>>, %arg14: memref<1600xi32, #tpu.memory_space<vmem>>, %arg15: memref<1600xi32, #tpu.memory_space<vmem>>) attributes {dimension_semantics = [#tpu.dimension_semantics<core_parallel>, #tpu.dimension_semantics<subcore_parallel>], iteration_bounds = array<i64: 2, 16>, scalar_prefetch = 0 : i64, scratch_operands = 7 : i64, tpu.core_type = #tpu.core_type<sc_vector_subcore>, window_params = [{transform_indices = #map}, {transform_indices = #map}, {transform_indices = #map}, {transform_indices = #map}, {transform_indices = #map}, {transform_indices = #map}, {transform_indices = #map}]} {
    %mul3A = arith.constant 2 : i32
    %mul3A_0 = arith.muli %arg1, %mul3A : i32
    %add3A = arith.addi %mul3A_0, %arg0 : i32
    %mul3A_1 = arith.constant 1600 : i32
    %mul3A_2 = arith.muli %add3A, %mul3A_1 : i32
    "tpu.region"() ({
      %run_scoped3A = tpu.sem_alloc : memref<!tpu.dma_semaphore, #tpu.memory_space<semaphore_mem>>
      tpu.enqueue_dma source(%arg4 : memref<64xi32, #tpu.memory_space<hbm>>) target(%arg9 : memref<64xi32, #tpu.memory_space<vmem>>) target_semaphore(%run_scoped3A : memref<!tpu.dma_semaphore, #tpu.memory_space<semaphore_mem>>)
      tpu.wait_dma2 semaphore(%run_scoped3A : memref<!tpu.dma_semaphore, #tpu.memory_space<semaphore_mem>>) src(%arg4 : memref<64xi32, #tpu.memory_space<hbm>>) dst(%arg9 : memref<64xi32, #tpu.memory_space<vmem>>)
      tpu.yield
    }) : () -> ()
    "tpu.region"() ({
      %run_scoped3A = tpu.sem_alloc : memref<!tpu.dma_semaphore, #tpu.memory_space<semaphore_mem>>
      tpu.enqueue_dma source(%arg5 : memref<64xi32, #tpu.memory_space<hbm>>) target(%arg10 : memref<64xi32, #tpu.memory_space<vmem>>) target_semaphore(%run_scoped3A : memref<!tpu.dma_semaphore, #tpu.memory_space<semaphore_mem>>)
      tpu.wait_dma2 semaphore(%run_scoped3A : memref<!tpu.dma_semaphore, #tpu.memory_space<semaphore_mem>>) src(%arg5 : memref<64xi32, #tpu.memory_space<hbm>>) dst(%arg10 : memref<64xi32, #tpu.memory_space<vmem>>)
      tpu.yield
    }) : () -> ()
    "tpu.region"() ({
      %run_scoped3A = tpu.sem_alloc : memref<!tpu.dma_semaphore, #tpu.memory_space<semaphore_mem>>
      %dma_start3A = tpu.memref_slice %arg2[%mul3A_2] : memref<51200xi32, #tpu.memory_space<hbm>> -> memref<1600xi32, #tpu.memory_space<hbm>>
      %dma_start3A_8 = tpu.memref_slice %arg2[%mul3A_2] : memref<51200xi32, #tpu.memory_space<hbm>> -> memref<1600xi32, #tpu.memory_space<hbm>>
      tpu.enqueue_dma source(%dma_start3A_8 : memref<1600xi32, #tpu.memory_space<hbm>>) target(%arg11 : memref<1600xi32, #tpu.memory_space<vmem>>) target_semaphore(%run_scoped3A : memref<!tpu.dma_semaphore, #tpu.memory_space<semaphore_mem>>)
      %dma_wait3A = tpu.memref_slice %arg2[%mul3A_2] : memref<51200xi32, #tpu.memory_space<hbm>> -> memref<1600xi32, #tpu.memory_space<hbm>>
      %dma_wait3A_9 = tpu.memref_slice %arg2[%mul3A_2] : memref<51200xi32, #tpu.memory_space<hbm>> -> memref<1600xi32, #tpu.memory_space<hbm>>
      tpu.wait_dma2 semaphore(%run_scoped3A : memref<!tpu.dma_semaphore, #tpu.memory_space<semaphore_mem>>) src(%dma_wait3A_9 : memref<1600xi32, #tpu.memory_space<hbm>>) dst(%arg11 : memref<1600xi32, #tpu.memory_space<vmem>>)
      tpu.yield
    }) : () -> ()
    "tpu.region"() ({
      %run_scoped3A = tpu.sem_alloc : memref<!tpu.dma_semaphore, #tpu.memory_space<semaphore_mem>>
      %dma_start3A = tpu.memref_slice %arg3[%mul3A_2] : memref<51200xi32, #tpu.memory_space<hbm>> -> memref<1600xi32, #tpu.memory_space<hbm>>
      %dma_start3A_8 = tpu.memref_slice %arg3[%mul3A_2] : memref<51200xi32, #tpu.memory_space<hbm>> -> memref<1600xi32, #tpu.memory_space<hbm>>
      tpu.enqueue_dma source(%dma_start3A_8 : memref<1600xi32, #tpu.memory_space<hbm>>) target(%arg12 : memref<1600xi32, #tpu.memory_space<vmem>>) target_semaphore(%run_scoped3A : memref<!tpu.dma_semaphore, #tpu.memory_space<semaphore_mem>>)
      %dma_wait3A = tpu.memref_slice %arg3[%mul3A_2] : memref<51200xi32, #tpu.memory_space<hbm>> -> memref<1600xi32, #tpu.memory_space<hbm>>
      %dma_wait3A_9 = tpu.memref_slice %arg3[%mul3A_2] : memref<51200xi32, #tpu.memory_space<hbm>> -> memref<1600xi32, #tpu.memory_space<hbm>>
      tpu.wait_dma2 semaphore(%run_scoped3A : memref<!tpu.dma_semaphore, #tpu.memory_space<semaphore_mem>>) src(%dma_wait3A_9 : memref<1600xi32, #tpu.memory_space<hbm>>) dst(%arg12 : memref<1600xi32, #tpu.memory_space<vmem>>)
      tpu.yield
    }) : () -> ()
    %scan3A = arith.constant 0 : i32
    %scan3A_3 = arith.constant 0 : i32
    %scan3A_4 = arith.constant 100 : i32
    %scan3A_5 = arith.addi %scan3A_3, %scan3A_4 : i32
    %scan3A_6 = arith.constant 1 : i32
    scf.for %scan3A_8 = %scan3A_3 to %scan3A_5 step %scan3A_6  : i32 {
      %mul3A_9 = arith.constant 16 : i32
      %mul3A_10 = arith.muli %scan3A_8, %mul3A_9 : i32
      %get3A = arith.index_cast %mul3A_10 : i32 to index
      %get3A_11 = tpu.vector_load %arg11[%get3A] {strides = array<i32>} : memref<1600xi32, #tpu.memory_space<vmem>>, vector<16xi32>,
      %and3A = arith.constant 63 : i32
      %and3A_12 = vector.broadcast %and3A : i32 to vector<16xi32>
      %and3A_13 = arith.andi %get3A_11, %and3A_12 : vector<16xi32>
      %shift_right_logical3A = arith.constant 6 : i32
      %shift_right_logical3A_14 = vector.broadcast %shift_right_logical3A : i32 to vector<16xi32>
      %shift_right_logical3A_15 = arith.shrui %get3A_11, %shift_right_logical3A_14 : vector<16xi32>
      %gather3A = tpu.vector_load_idx %arg9[%and3A_13] : memref<64xi32, #tpu.memory_space<vmem>>[vector<16xi32>], vector<16xi32>,
      %get3A_16 = arith.index_cast %mul3A_10 : i32 to index
      %get3A_17 = tpu.vector_load %arg12[%get3A_16] {strides = array<i32>} : memref<1600xi32, #tpu.memory_space<vmem>>, vector<16xi32>,
      %lt3A = arith.cmpi slt, %get3A_17, %shift_right_logical3A_15 : vector<16xi32>
      %convert_element_type3A = arith.extui %lt3A : vector<16xi1> to vector<16xi32>
      %gather3A_18 = tpu.vector_load_idx %arg10[%gather3A] : memref<64xi32, #tpu.memory_space<vmem>>[vector<16xi32>], vector<16xi32>,
      %swap3A = arith.index_cast %mul3A_10 : i32 to index
      %swap3A_19 = tpu.vector_load %arg13[%swap3A] {strides = array<i32>} : memref<1600xi32, #tpu.memory_space<vmem>>, vector<16xi32>,
      tpu.vector_store %arg13[%swap3A], %gather3A_18 {strides = array<i32>} : memref<1600xi32, #tpu.memory_space<vmem>>, vector<16xi32>,
      %swap3A_20 = arith.index_cast %mul3A_10 : i32 to index
      %swap3A_21 = tpu.vector_load %arg14[%swap3A_20] {strides = array<i32>} : memref<1600xi32, #tpu.memory_space<vmem>>, vector<16xi32>,
      tpu.vector_store %arg14[%swap3A_20], %convert_element_type3A {strides = array<i32>} : memref<1600xi32, #tpu.memory_space<vmem>>, vector<16xi32>,
      %min3A = arith.minsi %shift_right_logical3A_15, %get3A_17 : vector<16xi32>
      %swap3A_22 = arith.index_cast %mul3A_10 : i32 to index
      %swap3A_23 = tpu.vector_load %arg15[%swap3A_22] {strides = array<i32>} : memref<1600xi32, #tpu.memory_space<vmem>>, vector<16xi32>,
      tpu.vector_store %arg15[%swap3A_22], %min3A {strides = array<i32>} : memref<1600xi32, #tpu.memory_space<vmem>>, vector<16xi32>,
    }
    %scan3A_7 = arith.constant 100 : i32
    "tpu.region"() ({
      %run_scoped3A = tpu.sem_alloc : memref<!tpu.dma_semaphore, #tpu.memory_space<semaphore_mem>>
      %dma_start3A = tpu.memref_slice %arg6[%mul3A_2] : memref<51200xi32, #tpu.memory_space<hbm>> -> memref<1600xi32, #tpu.memory_space<hbm>>
      %dma_start3A_8 = tpu.memref_slice %arg6[%mul3A_2] : memref<51200xi32, #tpu.memory_space<hbm>> -> memref<1600xi32, #tpu.memory_space<hbm>>
      tpu.enqueue_dma source(%arg13 : memref<1600xi32, #tpu.memory_space<vmem>>) target(%dma_start3A_8 : memref<1600xi32, #tpu.memory_space<hbm>>) target_semaphore(%run_scoped3A : memref<!tpu.dma_semaphore, #tpu.memory_space<semaphore_mem>>)
      %dma_wait3A = tpu.memref_slice %arg6[%mul3A_2] : memref<51200xi32, #tpu.memory_space<hbm>> -> memref<1600xi32, #tpu.memory_space<hbm>>
      %dma_wait3A_9 = tpu.memref_slice %arg6[%mul3A_2] : memref<51200xi32, #tpu.memory_space<hbm>> -> memref<1600xi32, #tpu.memory_space<hbm>>
      tpu.wait_dma2 semaphore(%run_scoped3A : memref<!tpu.dma_semaphore, #tpu.memory_space<semaphore_mem>>) src(%arg13 : memref<1600xi32, #tpu.memory_space<vmem>>) dst(%dma_wait3A_9 : memref<1600xi32, #tpu.memory_space<hbm>>)
      tpu.yield
    }) : () -> ()
    "tpu.region"() ({
      %run_scoped3A = tpu.sem_alloc : memref<!tpu.dma_semaphore, #tpu.memory_space<semaphore_mem>>
      %dma_start3A = tpu.memref_slice %arg7[%mul3A_2] : memref<51200xi32, #tpu.memory_space<hbm>> -> memref<1600xi32, #tpu.memory_space<hbm>>
      %dma_start3A_8 = tpu.memref_slice %arg7[%mul3A_2] : memref<51200xi32, #tpu.memory_space<hbm>> -> memref<1600xi32, #tpu.memory_space<hbm>>
      tpu.enqueue_dma source(%arg14 : memref<1600xi32, #tpu.memory_space<vmem>>) target(%dma_start3A_8 : memref<1600xi32, #tpu.memory_space<hbm>>) target_semaphore(%run_scoped3A : memref<!tpu.dma_semaphore, #tpu.memory_space<semaphore_mem>>)
      %dma_wait3A = tpu.memref_slice %arg7[%mul3A_2] : memref<51200xi32, #tpu.memory_space<hbm>> -> memref<1600xi32, #tpu.memory_space<hbm>>
      %dma_wait3A_9 = tpu.memref_slice %arg7[%mul3A_2] : memref<51200xi32, #tpu.memory_space<hbm>> -> memref<1600xi32, #tpu.memory_space<hbm>>
      tpu.wait_dma2 semaphore(%run_scoped3A : memref<!tpu.dma_semaphore, #tpu.memory_space<semaphore_mem>>) src(%arg14 : memref<1600xi32, #tpu.memory_space<vmem>>) dst(%dma_wait3A_9 : memref<1600xi32, #tpu.memory_space<hbm>>)
      tpu.yield
    }) : () -> ()
    "tpu.region"() ({
      %run_scoped3A = tpu.sem_alloc : memref<!tpu.dma_semaphore, #tpu.memory_space<semaphore_mem>>
      %dma_start3A = tpu.memref_slice %arg8[%mul3A_2] : memref<51200xi32, #tpu.memory_space<hbm>> -> memref<1600xi32, #tpu.memory_space<hbm>>
      %dma_start3A_8 = tpu.memref_slice %arg8[%mul3A_2] : memref<51200xi32, #tpu.memory_space<hbm>> -> memref<1600xi32, #tpu.memory_space<hbm>>
      tpu.enqueue_dma source(%arg15 : memref<1600xi32, #tpu.memory_space<vmem>>) target(%dma_start3A_8 : memref<1600xi32, #tpu.memory_space<hbm>>) target_semaphore(%run_scoped3A : memref<!tpu.dma_semaphore, #tpu.memory_space<semaphore_mem>>)
      %dma_wait3A = tpu.memref_slice %arg8[%mul3A_2] : memref<51200xi32, #tpu.memory_space<hbm>> -> memref<1600xi32, #tpu.memory_space<hbm>>
      %dma_wait3A_9 = tpu.memref_slice %arg8[%mul3A_2] : memref<51200xi32, #tpu.memory_space<hbm>> -> memref<1600xi32, #tpu.memory_space<hbm>>
      tpu.wait_dma2 semaphore(%run_scoped3A : memref<!tpu.dma_semaphore, #tpu.memory_space<semaphore_mem>>) src(%arg15 : memref<1600xi32, #tpu.memory_space<vmem>>) dst(%dma_wait3A_9 : memref<1600xi32, #tpu.memory_space<hbm>>)
      tpu.yield
    }) : () -> ()
    return
  }
}

module attributes {stable_mosaic.version = 14 : i64} {
  func.func @body(%arg0: i32, %arg1: memref<400x16x160xi16, #tpu.memory_space<vmem>>, %arg2: memref<8x16x160xi16, #tpu.memory_space<vmem>>, %arg3: memref<50x160xf32, #tpu.memory_space<vmem>>, %arg4: memref<8x160xi32, #tpu.memory_space<vmem>>, %arg5: memref<8x160xi32, #tpu.memory_space<vmem>>, %arg6: memref<8x16x160xi16, #tpu.memory_space<vmem>>) attributes {dimension_semantics = [#tpu.dimension_semantics<parallel>], iteration_bounds = array<i64: 40>, scalar_prefetch = 0 : i64, scratch_operands = 0 : i64, tpu.core_type = #tpu.core_type<tc>, window_params = [{transform_indices = @transform_0, window_bounds = array<i64: 400, 16, 160>}, {transform_indices = @transform_1, window_bounds = array<i64: 8, 16, 160>}, {pipeline_mode = #tpu.pipeline_mode<synchronous>, transform_indices = @transform_2, window_bounds = array<i64: 50, 160>}, {transform_indices = @transform_3, window_bounds = array<i64: 8, 160>}, {transform_indices = @transform_4, window_bounds = array<i64: 8, 160>}, {transform_indices = @transform_5, window_bounds = array<i64: 8, 16, 160>}]} {
    %get3A = arith.constant 0 : index
    %get3A_0 = arith.constant 0 : index
    %get3A_1 = arith.constant 0 : index
    %get3A_2 = vector.load %arg1[%get3A, %get3A_0, %get3A_1] : memref<400x16x160xi16, #tpu.memory_space<vmem>>, vector<400x16x160xi16>
    %reshape3A = vector.shape_cast %get3A_2 : vector<400x16x160xi16> to vector<8x50x16x160xi16>
    %convert_element_type3A = arith.extsi %reshape3A : vector<8x50x16x160xi16> to vector<8x50x16x160xi32>
    %shift_left3A = arith.constant 13 : i32
    %shift_left3A_3 = vector.broadcast %shift_left3A : i32 to vector<8x50x16x160xi32>
    %shift_left3A_4 = arith.shli %convert_element_type3A, %shift_left3A_3 : vector<8x50x16x160xi32>
    %bitcast_convert_type3A = tpu.bitcast %shift_left3A_4 : vector<8x50x16x160xi32> -> vector<8x50x16x160xf32>
    %mul3A = arith.constant 5.19229686E+33 : f32
    %mul3A_5 = vector.broadcast %mul3A : f32 to vector<8x50x16x160xf32>
    %mul3A_6 = arith.mulf %bitcast_convert_type3A, %mul3A_5 : vector<8x50x16x160xf32>
    %get3A_7 = arith.constant 0 : index
    %get3A_8 = arith.constant 0 : index
    %get3A_9 = arith.constant 0 : index
    %get3A_10 = vector.load %arg2[%get3A_7, %get3A_8, %get3A_9] : memref<8x16x160xi16, #tpu.memory_space<vmem>>, vector<8x16x160xi16>
    %convert_element_type3A_11 = arith.extsi %get3A_10 : vector<8x16x160xi16> to vector<8x16x160xi32>
    %shift_left3A_12 = arith.constant 13 : i32
    %shift_left3A_13 = vector.broadcast %shift_left3A_12 : i32 to vector<8x16x160xi32>
    %shift_left3A_14 = arith.shli %convert_element_type3A_11, %shift_left3A_13 : vector<8x16x160xi32>
    %bitcast_convert_type3A_15 = tpu.bitcast %shift_left3A_14 : vector<8x16x160xi32> -> vector<8x16x160xf32>
    %mul3A_16 = arith.constant 5.19229686E+33 : f32
    %mul3A_17 = vector.broadcast %mul3A_16 : f32 to vector<8x16x160xf32>
    %mul3A_18 = arith.mulf %bitcast_convert_type3A_15, %mul3A_17 : vector<8x16x160xf32>
    %broadcast_in_dim3A = vector.shape_cast %mul3A_18 : vector<8x16x160xf32> to vector<8x1x16x160xf32>
    %sub3A = vector.broadcast %broadcast_in_dim3A : vector<8x1x16x160xf32> to vector<8x50x16x160xf32>
    %sub3A_19 = arith.subf %mul3A_6, %sub3A : vector<8x50x16x160xf32>
    %abs3A = math.absf %sub3A_19 : vector<8x50x16x160xf32>
    %reduce_sum3A = arith.constant dense<0.000000e+00> : vector<8x50x160xf32>
    %reduce_sum3A_20 = vector.multi_reduction <add>, %abs3A, %reduce_sum3A [2] : vector<8x50x16x160xf32> to vector<8x50x160xf32>
    %mul3A_21 = arith.constant 6.400000e+01 : f32
    %mul3A_22 = vector.broadcast %mul3A_21 : f32 to vector<8x50x160xf32>
    %mul3A_23 = arith.mulf %reduce_sum3A_20, %mul3A_22 : vector<8x50x160xf32>
    %get3A_24 = arith.constant 0 : index
    %get3A_25 = arith.constant 0 : index
    %get3A_26 = vector.load %arg3[%get3A_24, %get3A_25] : memref<50x160xf32, #tpu.memory_space<vmem>>, vector<50x160xf32>
    %broadcast_in_dim3A_27 = vector.shape_cast %get3A_26 : vector<50x160xf32> to vector<1x50x160xf32>
    %add3A = vector.broadcast %broadcast_in_dim3A_27 : vector<1x50x160xf32> to vector<8x50x160xf32>
    %add3A_28 = arith.addf %mul3A_23, %add3A : vector<8x50x160xf32>
    %reduce_min3A = arith.constant dense<0x7F800000> : vector<8x160xf32>
    %reduce_min3A_29 = vector.multi_reduction <minimumf>, %add3A_28, %reduce_min3A [1] : vector<8x50x160xf32> to vector<8x160xf32>
    %convert_element_type3A_30 = arith.fptosi %reduce_min3A_29 : vector<8x160xf32> to vector<8x160xi32>
    %slice3A = vector.extract_strided_slice %reduce_sum3A_20 {offsets = [0, 49, 0], sizes = [8, 1, 160], strides = [1, 1, 1]} : vector<8x50x160xf32> to vector<8x1x160xf32>
    %squeeze3A = vector.shape_cast %slice3A : vector<8x1x160xf32> to vector<8x160xf32>
    %convert_element_type3A_31 = arith.fptosi %squeeze3A : vector<8x160xf32> to vector<8x160xi32>
    %swap3A = arith.constant 0 : index
    %swap3A_32 = arith.constant 0 : index
    %swap3A_33 = vector.load %arg4[%swap3A, %swap3A_32] : memref<8x160xi32, #tpu.memory_space<vmem>>, vector<8x160xi32>
    tpu.vector_store %arg4[%swap3A, %swap3A_32], %convert_element_type3A_30 {strides = array<i32>} : memref<8x160xi32, #tpu.memory_space<vmem>>, vector<8x160xi32>,
    %swap3A_34 = arith.constant 0 : index
    %swap3A_35 = arith.constant 0 : index
    %swap3A_36 = vector.load %arg5[%swap3A_34, %swap3A_35] : memref<8x160xi32, #tpu.memory_space<vmem>>, vector<8x160xi32>
    tpu.vector_store %arg5[%swap3A_34, %swap3A_35], %convert_element_type3A_31 {strides = array<i32>} : memref<8x160xi32, #tpu.memory_space<vmem>>, vector<8x160xi32>,
    %and3A = arith.constant 63 : i32
    %and3A_37 = vector.broadcast %and3A : i32 to vector<8x160xi32>
    %and3A_38 = arith.andi %convert_element_type3A_30, %and3A_37 : vector<8x160xi32>
    %shift_right_logical3A = arith.constant 6 : i32
    %shift_right_logical3A_39 = vector.broadcast %shift_right_logical3A : i32 to vector<8x160xi32>
    %shift_right_logical3A_40 = arith.shrui %convert_element_type3A_30, %shift_right_logical3A_39 : vector<8x160xi32>
    %broadcast_in_dim3A_41 = arith.constant 24 : i32
    %broadcast_in_dim3A_42 = vector.broadcast %broadcast_in_dim3A_41 : i32 to vector<8x160xi32>
    %eq3A = arith.constant 1 : i32
    %eq3A_43 = vector.broadcast %eq3A : i32 to vector<8x160xi32>
    %eq3A_44 = arith.cmpi eq, %and3A_38, %eq3A_43 : vector<8x160xi32>
    %jit3A = arith.constant 25 : i32
    %broadcast_in_dim3A_45 = vector.broadcast %jit3A : i32 to vector<8x160xi32>
    %select_n3A = arith.select %eq3A_44, %broadcast_in_dim3A_45, %broadcast_in_dim3A_42 : vector<8x160xi1>, vector<8x160xi32>
    %eq3A_46 = arith.constant 2 : i32
    %eq3A_47 = vector.broadcast %eq3A_46 : i32 to vector<8x160xi32>
    %eq3A_48 = arith.cmpi eq, %and3A_38, %eq3A_47 : vector<8x160xi32>
    %jit3A_49 = arith.constant 32 : i32
    %broadcast_in_dim3A_50 = vector.broadcast %jit3A_49 : i32 to vector<8x160xi32>
    %select_n3A_51 = arith.select %eq3A_48, %broadcast_in_dim3A_50, %select_n3A : vector<8x160xi1>, vector<8x160xi32>
    %eq3A_52 = arith.constant 3 : i32
    %eq3A_53 = vector.broadcast %eq3A_52 : i32 to vector<8x160xi32>
    %eq3A_54 = arith.cmpi eq, %and3A_38, %eq3A_53 : vector<8x160xi32>
    %jit3A_55 = arith.constant 31 : i32
    %broadcast_in_dim3A_56 = vector.broadcast %jit3A_55 : i32 to vector<8x160xi32>
    %select_n3A_57 = arith.select %eq3A_54, %broadcast_in_dim3A_56, %select_n3A_51 : vector<8x160xi1>, vector<8x160xi32>
    %eq3A_58 = arith.constant 4 : i32
    %eq3A_59 = vector.broadcast %eq3A_58 : i32 to vector<8x160xi32>
    %eq3A_60 = arith.cmpi eq, %and3A_38, %eq3A_59 : vector<8x160xi32>
    %jit3A_61 = arith.constant 30 : i32
    %broadcast_in_dim3A_62 = vector.broadcast %jit3A_61 : i32 to vector<8x160xi32>
    %select_n3A_63 = arith.select %eq3A_60, %broadcast_in_dim3A_62, %select_n3A_57 : vector<8x160xi1>, vector<8x160xi32>
    %eq3A_64 = arith.constant 5 : i32
    %eq3A_65 = vector.broadcast %eq3A_64 : i32 to vector<8x160xi32>
    %eq3A_66 = arith.cmpi eq, %and3A_38, %eq3A_65 : vector<8x160xi32>
    %jit3A_67 = arith.constant 23 : i32
    %broadcast_in_dim3A_68 = vector.broadcast %jit3A_67 : i32 to vector<8x160xi32>
    %select_n3A_69 = arith.select %eq3A_66, %broadcast_in_dim3A_68, %select_n3A_63 : vector<8x160xi1>, vector<8x160xi32>
    %eq3A_70 = arith.constant 6 : i32
    %eq3A_71 = vector.broadcast %eq3A_70 : i32 to vector<8x160xi32>
    %eq3A_72 = arith.cmpi eq, %and3A_38, %eq3A_71 : vector<8x160xi32>
    %jit3A_73 = arith.constant 16 : i32
    %broadcast_in_dim3A_74 = vector.broadcast %jit3A_73 : i32 to vector<8x160xi32>
    %select_n3A_75 = arith.select %eq3A_72, %broadcast_in_dim3A_74, %select_n3A_69 : vector<8x160xi1>, vector<8x160xi32>
    %eq3A_76 = arith.constant 7 : i32
    %eq3A_77 = vector.broadcast %eq3A_76 : i32 to vector<8x160xi32>
    %eq3A_78 = arith.cmpi eq, %and3A_38, %eq3A_77 : vector<8x160xi32>
    %jit3A_79 = arith.constant 17 : i32
    %broadcast_in_dim3A_80 = vector.broadcast %jit3A_79 : i32 to vector<8x160xi32>
    %select_n3A_81 = arith.select %eq3A_78, %broadcast_in_dim3A_80, %select_n3A_75 : vector<8x160xi1>, vector<8x160xi32>
    %eq3A_82 = arith.constant 8 : i32
    %eq3A_83 = vector.broadcast %eq3A_82 : i32 to vector<8x160xi32>
    %eq3A_84 = arith.cmpi eq, %and3A_38, %eq3A_83 : vector<8x160xi32>
    %jit3A_85 = arith.constant 18 : i32
    %broadcast_in_dim3A_86 = vector.broadcast %jit3A_85 : i32 to vector<8x160xi32>
    %select_n3A_87 = arith.select %eq3A_84, %broadcast_in_dim3A_86, %select_n3A_81 : vector<8x160xi1>, vector<8x160xi32>
    %eq3A_88 = arith.constant 9 : i32
    %eq3A_89 = vector.broadcast %eq3A_88 : i32 to vector<8x160xi32>
    %eq3A_90 = arith.cmpi eq, %and3A_38, %eq3A_89 : vector<8x160xi32>
    %jit3A_91 = arith.constant 19 : i32
    %broadcast_in_dim3A_92 = vector.broadcast %jit3A_91 : i32 to vector<8x160xi32>
    %select_n3A_93 = arith.select %eq3A_90, %broadcast_in_dim3A_92, %select_n3A_87 : vector<8x160xi1>, vector<8x160xi32>
    %eq3A_94 = arith.constant 10 : i32
    %eq3A_95 = vector.broadcast %eq3A_94 : i32 to vector<8x160xi32>
    %eq3A_96 = arith.cmpi eq, %and3A_38, %eq3A_95 : vector<8x160xi32>
    %jit3A_97 = arith.constant 26 : i32
    %broadcast_in_dim3A_98 = vector.broadcast %jit3A_97 : i32 to vector<8x160xi32>
    %select_n3A_99 = arith.select %eq3A_96, %broadcast_in_dim3A_98, %select_n3A_93 : vector<8x160xi1>, vector<8x160xi32>
    %eq3A_100 = arith.constant 11 : i32
    %eq3A_101 = vector.broadcast %eq3A_100 : i32 to vector<8x160xi32>
    %eq3A_102 = arith.cmpi eq, %and3A_38, %eq3A_101 : vector<8x160xi32>
    %jit3A_103 = arith.constant 33 : i32
    %broadcast_in_dim3A_104 = vector.broadcast %jit3A_103 : i32 to vector<8x160xi32>
    %select_n3A_105 = arith.select %eq3A_102, %broadcast_in_dim3A_104, %select_n3A_99 : vector<8x160xi1>, vector<8x160xi32>
    %eq3A_106 = arith.constant 12 : i32
    %eq3A_107 = vector.broadcast %eq3A_106 : i32 to vector<8x160xi32>
    %eq3A_108 = arith.cmpi eq, %and3A_38, %eq3A_107 : vector<8x160xi32>
    %jit3A_109 = arith.constant 40 : i32
    %broadcast_in_dim3A_110 = vector.broadcast %jit3A_109 : i32 to vector<8x160xi32>
    %select_n3A_111 = arith.select %eq3A_108, %broadcast_in_dim3A_110, %select_n3A_105 : vector<8x160xi1>, vector<8x160xi32>
    %eq3A_112 = arith.constant 13 : i32
    %eq3A_113 = vector.broadcast %eq3A_112 : i32 to vector<8x160xi32>
    %eq3A_114 = arith.cmpi eq, %and3A_38, %eq3A_113 : vector<8x160xi32>
    %jit3A_115 = arith.constant 39 : i32
    %broadcast_in_dim3A_116 = vector.broadcast %jit3A_115 : i32 to vector<8x160xi32>
    %select_n3A_117 = arith.select %eq3A_114, %broadcast_in_dim3A_116, %select_n3A_111 : vector<8x160xi1>, vector<8x160xi32>
    %eq3A_118 = arith.constant 14 : i32
    %eq3A_119 = vector.broadcast %eq3A_118 : i32 to vector<8x160xi32>
    %eq3A_120 = arith.cmpi eq, %and3A_38, %eq3A_119 : vector<8x160xi32>
    %jit3A_121 = arith.constant 38 : i32
    %broadcast_in_dim3A_122 = vector.broadcast %jit3A_121 : i32 to vector<8x160xi32>
    %select_n3A_123 = arith.select %eq3A_120, %broadcast_in_dim3A_122, %select_n3A_117 : vector<8x160xi1>, vector<8x160xi32>
    %eq3A_124 = arith.constant 15 : i32
    %eq3A_125 = vector.broadcast %eq3A_124 : i32 to vector<8x160xi32>
    %eq3A_126 = arith.cmpi eq, %and3A_38, %eq3A_125 : vector<8x160xi32>
    %jit3A_127 = arith.constant 37 : i32
    %broadcast_in_dim3A_128 = vector.broadcast %jit3A_127 : i32 to vector<8x160xi32>
    %select_n3A_129 = arith.select %eq3A_126, %broadcast_in_dim3A_128, %select_n3A_123 : vector<8x160xi1>, vector<8x160xi32>
    %eq3A_130 = arith.constant 16 : i32
    %eq3A_131 = vector.broadcast %eq3A_130 : i32 to vector<8x160xi32>
    %eq3A_132 = arith.cmpi eq, %and3A_38, %eq3A_131 : vector<8x160xi32>
    %jit3A_133 = arith.constant 36 : i32
    %broadcast_in_dim3A_134 = vector.broadcast %jit3A_133 : i32 to vector<8x160xi32>
    %select_n3A_135 = arith.select %eq3A_132, %broadcast_in_dim3A_134, %select_n3A_129 : vector<8x160xi1>, vector<8x160xi32>
    %eq3A_136 = arith.constant 17 : i32
    %eq3A_137 = vector.broadcast %eq3A_136 : i32 to vector<8x160xi32>
    %eq3A_138 = arith.cmpi eq, %and3A_38, %eq3A_137 : vector<8x160xi32>
    %jit3A_139 = arith.constant 29 : i32
    %broadcast_in_dim3A_140 = vector.broadcast %jit3A_139 : i32 to vector<8x160xi32>
    %select_n3A_141 = arith.select %eq3A_138, %broadcast_in_dim3A_140, %select_n3A_135 : vector<8x160xi1>, vector<8x160xi32>
    %eq3A_142 = arith.constant 18 : i32
    %eq3A_143 = vector.broadcast %eq3A_142 : i32 to vector<8x160xi32>
    %eq3A_144 = arith.cmpi eq, %and3A_38, %eq3A_143 : vector<8x160xi32>
    %jit3A_145 = arith.constant 22 : i32
    %broadcast_in_dim3A_146 = vector.broadcast %jit3A_145 : i32 to vector<8x160xi32>
    %select_n3A_147 = arith.select %eq3A_144, %broadcast_in_dim3A_146, %select_n3A_141 : vector<8x160xi1>, vector<8x160xi32>
    %eq3A_148 = arith.constant 19 : i32
    %eq3A_149 = vector.broadcast %eq3A_148 : i32 to vector<8x160xi32>
    %eq3A_150 = arith.cmpi eq, %and3A_38, %eq3A_149 : vector<8x160xi32>
    %jit3A_151 = arith.constant 15 : i32
    %broadcast_in_dim3A_152 = vector.broadcast %jit3A_151 : i32 to vector<8x160xi32>
    %select_n3A_153 = arith.select %eq3A_150, %broadcast_in_dim3A_152, %select_n3A_147 : vector<8x160xi1>, vector<8x160xi32>
    %eq3A_154 = arith.constant 20 : i32
    %eq3A_155 = vector.broadcast %eq3A_154 : i32 to vector<8x160xi32>
    %eq3A_156 = arith.cmpi eq, %and3A_38, %eq3A_155 : vector<8x160xi32>
    %jit3A_157 = arith.constant 8 : i32
    %broadcast_in_dim3A_158 = vector.broadcast %jit3A_157 : i32 to vector<8x160xi32>
    %select_n3A_159 = arith.select %eq3A_156, %broadcast_in_dim3A_158, %select_n3A_153 : vector<8x160xi1>, vector<8x160xi32>
    %eq3A_160 = arith.constant 21 : i32
    %eq3A_161 = vector.broadcast %eq3A_160 : i32 to vector<8x160xi32>
    %eq3A_162 = arith.cmpi eq, %and3A_38, %eq3A_161 : vector<8x160xi32>
    %jit3A_163 = arith.constant 9 : i32
    %broadcast_in_dim3A_164 = vector.broadcast %jit3A_163 : i32 to vector<8x160xi32>
    %select_n3A_165 = arith.select %eq3A_162, %broadcast_in_dim3A_164, %select_n3A_159 : vector<8x160xi1>, vector<8x160xi32>
    %eq3A_166 = arith.constant 22 : i32
    %eq3A_167 = vector.broadcast %eq3A_166 : i32 to vector<8x160xi32>
    %eq3A_168 = arith.cmpi eq, %and3A_38, %eq3A_167 : vector<8x160xi32>
    %jit3A_169 = arith.constant 10 : i32
    %broadcast_in_dim3A_170 = vector.broadcast %jit3A_169 : i32 to vector<8x160xi32>
    %select_n3A_171 = arith.select %eq3A_168, %broadcast_in_dim3A_170, %select_n3A_165 : vector<8x160xi1>, vector<8x160xi32>
    %eq3A_172 = arith.constant 23 : i32
    %eq3A_173 = vector.broadcast %eq3A_172 : i32 to vector<8x160xi32>
    %eq3A_174 = arith.cmpi eq, %and3A_38, %eq3A_173 : vector<8x160xi32>
    %jit3A_175 = arith.constant 11 : i32
    %broadcast_in_dim3A_176 = vector.broadcast %jit3A_175 : i32 to vector<8x160xi32>
    %select_n3A_177 = arith.select %eq3A_174, %broadcast_in_dim3A_176, %select_n3A_171 : vector<8x160xi1>, vector<8x160xi32>
    %eq3A_178 = arith.constant 24 : i32
    %eq3A_179 = vector.broadcast %eq3A_178 : i32 to vector<8x160xi32>
    %eq3A_180 = arith.cmpi eq, %and3A_38, %eq3A_179 : vector<8x160xi32>
    %jit3A_181 = arith.constant 12 : i32
    %broadcast_in_dim3A_182 = vector.broadcast %jit3A_181 : i32 to vector<8x160xi32>
    %select_n3A_183 = arith.select %eq3A_180, %broadcast_in_dim3A_182, %select_n3A_177 : vector<8x160xi1>, vector<8x160xi32>
    %eq3A_184 = arith.constant 25 : i32
    %eq3A_185 = vector.broadcast %eq3A_184 : i32 to vector<8x160xi32>
    %eq3A_186 = arith.cmpi eq, %and3A_38, %eq3A_185 : vector<8x160xi32>
    %jit3A_187 = arith.constant 13 : i32
    %broadcast_in_dim3A_188 = vector.broadcast %jit3A_187 : i32 to vector<8x160xi32>
    %select_n3A_189 = arith.select %eq3A_186, %broadcast_in_dim3A_188, %select_n3A_183 : vector<8x160xi1>, vector<8x160xi32>
    %eq3A_190 = arith.constant 26 : i32
    %eq3A_191 = vector.broadcast %eq3A_190 : i32 to vector<8x160xi32>
    %eq3A_192 = arith.cmpi eq, %and3A_38, %eq3A_191 : vector<8x160xi32>
    %jit3A_193 = arith.constant 20 : i32
    %broadcast_in_dim3A_194 = vector.broadcast %jit3A_193 : i32 to vector<8x160xi32>
    %select_n3A_195 = arith.select %eq3A_192, %broadcast_in_dim3A_194, %select_n3A_189 : vector<8x160xi1>, vector<8x160xi32>
    %eq3A_196 = arith.constant 27 : i32
    %eq3A_197 = vector.broadcast %eq3A_196 : i32 to vector<8x160xi32>
    %eq3A_198 = arith.cmpi eq, %and3A_38, %eq3A_197 : vector<8x160xi32>
    %jit3A_199 = arith.constant 27 : i32
    %broadcast_in_dim3A_200 = vector.broadcast %jit3A_199 : i32 to vector<8x160xi32>
    %select_n3A_201 = arith.select %eq3A_198, %broadcast_in_dim3A_200, %select_n3A_195 : vector<8x160xi1>, vector<8x160xi32>
    %eq3A_202 = arith.constant 28 : i32
    %eq3A_203 = vector.broadcast %eq3A_202 : i32 to vector<8x160xi32>
    %eq3A_204 = arith.cmpi eq, %and3A_38, %eq3A_203 : vector<8x160xi32>
    %jit3A_205 = arith.constant 34 : i32
    %broadcast_in_dim3A_206 = vector.broadcast %jit3A_205 : i32 to vector<8x160xi32>
    %select_n3A_207 = arith.select %eq3A_204, %broadcast_in_dim3A_206, %select_n3A_201 : vector<8x160xi1>, vector<8x160xi32>
    %eq3A_208 = arith.constant 29 : i32
    %eq3A_209 = vector.broadcast %eq3A_208 : i32 to vector<8x160xi32>
    %eq3A_210 = arith.cmpi eq, %and3A_38, %eq3A_209 : vector<8x160xi32>
    %jit3A_211 = arith.constant 41 : i32
    %broadcast_in_dim3A_212 = vector.broadcast %jit3A_211 : i32 to vector<8x160xi32>
    %select_n3A_213 = arith.select %eq3A_210, %broadcast_in_dim3A_212, %select_n3A_207 : vector<8x160xi1>, vector<8x160xi32>
    %eq3A_214 = arith.constant 30 : i32
    %eq3A_215 = vector.broadcast %eq3A_214 : i32 to vector<8x160xi32>
    %eq3A_216 = arith.cmpi eq, %and3A_38, %eq3A_215 : vector<8x160xi32>
    %jit3A_217 = arith.constant 48 : i32
    %broadcast_in_dim3A_218 = vector.broadcast %jit3A_217 : i32 to vector<8x160xi32>
    %select_n3A_219 = arith.select %eq3A_216, %broadcast_in_dim3A_218, %select_n3A_213 : vector<8x160xi1>, vector<8x160xi32>
    %eq3A_220 = arith.constant 31 : i32
    %eq3A_221 = vector.broadcast %eq3A_220 : i32 to vector<8x160xi32>
    %eq3A_222 = arith.cmpi eq, %and3A_38, %eq3A_221 : vector<8x160xi32>
    %jit3A_223 = arith.constant 47 : i32
    %broadcast_in_dim3A_224 = vector.broadcast %jit3A_223 : i32 to vector<8x160xi32>
    %select_n3A_225 = arith.select %eq3A_222, %broadcast_in_dim3A_224, %select_n3A_219 : vector<8x160xi1>, vector<8x160xi32>
    %eq3A_226 = arith.constant 32 : i32
    %eq3A_227 = vector.broadcast %eq3A_226 : i32 to vector<8x160xi32>
    %eq3A_228 = arith.cmpi eq, %and3A_38, %eq3A_227 : vector<8x160xi32>
    %jit3A_229 = arith.constant 46 : i32
    %broadcast_in_dim3A_230 = vector.broadcast %jit3A_229 : i32 to vector<8x160xi32>
    %select_n3A_231 = arith.select %eq3A_228, %broadcast_in_dim3A_230, %select_n3A_225 : vector<8x160xi1>, vector<8x160xi32>
    %eq3A_232 = arith.constant 33 : i32
    %eq3A_233 = vector.broadcast %eq3A_232 : i32 to vector<8x160xi32>
    %eq3A_234 = arith.cmpi eq, %and3A_38, %eq3A_233 : vector<8x160xi32>
    %jit3A_235 = arith.constant 45 : i32
    %broadcast_in_dim3A_236 = vector.broadcast %jit3A_235 : i32 to vector<8x160xi32>
    %select_n3A_237 = arith.select %eq3A_234, %broadcast_in_dim3A_236, %select_n3A_231 : vector<8x160xi1>, vector<8x160xi32>
    %eq3A_238 = arith.constant 34 : i32
    %eq3A_239 = vector.broadcast %eq3A_238 : i32 to vector<8x160xi32>
    %eq3A_240 = arith.cmpi eq, %and3A_38, %eq3A_239 : vector<8x160xi32>
    %jit3A_241 = arith.constant 44 : i32
    %broadcast_in_dim3A_242 = vector.broadcast %jit3A_241 : i32 to vector<8x160xi32>
    %select_n3A_243 = arith.select %eq3A_240, %broadcast_in_dim3A_242, %select_n3A_237 : vector<8x160xi1>, vector<8x160xi32>
    %eq3A_244 = arith.constant 35 : i32
    %eq3A_245 = vector.broadcast %eq3A_244 : i32 to vector<8x160xi32>
    %eq3A_246 = arith.cmpi eq, %and3A_38, %eq3A_245 : vector<8x160xi32>
    %jit3A_247 = arith.constant 43 : i32
    %broadcast_in_dim3A_248 = vector.broadcast %jit3A_247 : i32 to vector<8x160xi32>
    %select_n3A_249 = arith.select %eq3A_246, %broadcast_in_dim3A_248, %select_n3A_243 : vector<8x160xi1>, vector<8x160xi32>
    %eq3A_250 = arith.constant 36 : i32
    %eq3A_251 = vector.broadcast %eq3A_250 : i32 to vector<8x160xi32>
    %eq3A_252 = arith.cmpi eq, %and3A_38, %eq3A_251 : vector<8x160xi32>
    %jit3A_253 = arith.constant 42 : i32
    %broadcast_in_dim3A_254 = vector.broadcast %jit3A_253 : i32 to vector<8x160xi32>
    %select_n3A_255 = arith.select %eq3A_252, %broadcast_in_dim3A_254, %select_n3A_249 : vector<8x160xi1>, vector<8x160xi32>
    %eq3A_256 = arith.constant 37 : i32
    %eq3A_257 = vector.broadcast %eq3A_256 : i32 to vector<8x160xi32>
    %eq3A_258 = arith.cmpi eq, %and3A_38, %eq3A_257 : vector<8x160xi32>
    %jit3A_259 = arith.constant 35 : i32
    %broadcast_in_dim3A_260 = vector.broadcast %jit3A_259 : i32 to vector<8x160xi32>
    %select_n3A_261 = arith.select %eq3A_258, %broadcast_in_dim3A_260, %select_n3A_255 : vector<8x160xi1>, vector<8x160xi32>
    %eq3A_262 = arith.constant 38 : i32
    %eq3A_263 = vector.broadcast %eq3A_262 : i32 to vector<8x160xi32>
    %eq3A_264 = arith.cmpi eq, %and3A_38, %eq3A_263 : vector<8x160xi32>
    %jit3A_265 = arith.constant 28 : i32
    %broadcast_in_dim3A_266 = vector.broadcast %jit3A_265 : i32 to vector<8x160xi32>
    %select_n3A_267 = arith.select %eq3A_264, %broadcast_in_dim3A_266, %select_n3A_261 : vector<8x160xi1>, vector<8x160xi32>
    %eq3A_268 = arith.constant 39 : i32
    %eq3A_269 = vector.broadcast %eq3A_268 : i32 to vector<8x160xi32>
    %eq3A_270 = arith.cmpi eq, %and3A_38, %eq3A_269 : vector<8x160xi32>
    %jit3A_271 = arith.constant 21 : i32
    %broadcast_in_dim3A_272 = vector.broadcast %jit3A_271 : i32 to vector<8x160xi32>
    %select_n3A_273 = arith.select %eq3A_270, %broadcast_in_dim3A_272, %select_n3A_267 : vector<8x160xi1>, vector<8x160xi32>
    %eq3A_274 = arith.constant 40 : i32
    %eq3A_275 = vector.broadcast %eq3A_274 : i32 to vector<8x160xi32>
    %eq3A_276 = arith.cmpi eq, %and3A_38, %eq3A_275 : vector<8x160xi32>
    %jit3A_277 = arith.constant 14 : i32
    %broadcast_in_dim3A_278 = vector.broadcast %jit3A_277 : i32 to vector<8x160xi32>
    %select_n3A_279 = arith.select %eq3A_276, %broadcast_in_dim3A_278, %select_n3A_273 : vector<8x160xi1>, vector<8x160xi32>
    %eq3A_280 = arith.constant 41 : i32
    %eq3A_281 = vector.broadcast %eq3A_280 : i32 to vector<8x160xi32>
    %eq3A_282 = arith.cmpi eq, %and3A_38, %eq3A_281 : vector<8x160xi32>
    %jit3A_283 = arith.constant 7 : i32
    %broadcast_in_dim3A_284 = vector.broadcast %jit3A_283 : i32 to vector<8x160xi32>
    %select_n3A_285 = arith.select %eq3A_282, %broadcast_in_dim3A_284, %select_n3A_279 : vector<8x160xi1>, vector<8x160xi32>
    %eq3A_286 = arith.constant 42 : i32
    %eq3A_287 = vector.broadcast %eq3A_286 : i32 to vector<8x160xi32>
    %eq3A_288 = arith.cmpi eq, %and3A_38, %eq3A_287 : vector<8x160xi32>
    %jit3A_289 = arith.constant 0 : i32
    %broadcast_in_dim3A_290 = vector.broadcast %jit3A_289 : i32 to vector<8x160xi32>
    %select_n3A_291 = arith.select %eq3A_288, %broadcast_in_dim3A_290, %select_n3A_285 : vector<8x160xi1>, vector<8x160xi32>
    %eq3A_292 = arith.constant 43 : i32
    %eq3A_293 = vector.broadcast %eq3A_292 : i32 to vector<8x160xi32>
    %eq3A_294 = arith.cmpi eq, %and3A_38, %eq3A_293 : vector<8x160xi32>
    %jit3A_295 = arith.constant 1 : i32
    %broadcast_in_dim3A_296 = vector.broadcast %jit3A_295 : i32 to vector<8x160xi32>
    %select_n3A_297 = arith.select %eq3A_294, %broadcast_in_dim3A_296, %select_n3A_291 : vector<8x160xi1>, vector<8x160xi32>
    %eq3A_298 = arith.constant 44 : i32
    %eq3A_299 = vector.broadcast %eq3A_298 : i32 to vector<8x160xi32>
    %eq3A_300 = arith.cmpi eq, %and3A_38, %eq3A_299 : vector<8x160xi32>
    %jit3A_301 = arith.constant 2 : i32
    %broadcast_in_dim3A_302 = vector.broadcast %jit3A_301 : i32 to vector<8x160xi32>
    %select_n3A_303 = arith.select %eq3A_300, %broadcast_in_dim3A_302, %select_n3A_297 : vector<8x160xi1>, vector<8x160xi32>
    %eq3A_304 = arith.constant 45 : i32
    %eq3A_305 = vector.broadcast %eq3A_304 : i32 to vector<8x160xi32>
    %eq3A_306 = arith.cmpi eq, %and3A_38, %eq3A_305 : vector<8x160xi32>
    %jit3A_307 = arith.constant 3 : i32
    %broadcast_in_dim3A_308 = vector.broadcast %jit3A_307 : i32 to vector<8x160xi32>
    %select_n3A_309 = arith.select %eq3A_306, %broadcast_in_dim3A_308, %select_n3A_303 : vector<8x160xi1>, vector<8x160xi32>
    %eq3A_310 = arith.constant 46 : i32
    %eq3A_311 = vector.broadcast %eq3A_310 : i32 to vector<8x160xi32>
    %eq3A_312 = arith.cmpi eq, %and3A_38, %eq3A_311 : vector<8x160xi32>
    %jit3A_313 = arith.constant 4 : i32
    %broadcast_in_dim3A_314 = vector.broadcast %jit3A_313 : i32 to vector<8x160xi32>
    %select_n3A_315 = arith.select %eq3A_312, %broadcast_in_dim3A_314, %select_n3A_309 : vector<8x160xi1>, vector<8x160xi32>
    %eq3A_316 = arith.constant 47 : i32
    %eq3A_317 = vector.broadcast %eq3A_316 : i32 to vector<8x160xi32>
    %eq3A_318 = arith.cmpi eq, %and3A_38, %eq3A_317 : vector<8x160xi32>
    %jit3A_319 = arith.constant 5 : i32
    %broadcast_in_dim3A_320 = vector.broadcast %jit3A_319 : i32 to vector<8x160xi32>
    %select_n3A_321 = arith.select %eq3A_318, %broadcast_in_dim3A_320, %select_n3A_315 : vector<8x160xi1>, vector<8x160xi32>
    %eq3A_322 = arith.constant 48 : i32
    %eq3A_323 = vector.broadcast %eq3A_322 : i32 to vector<8x160xi32>
    %eq3A_324 = arith.cmpi eq, %and3A_38, %eq3A_323 : vector<8x160xi32>
    %jit3A_325 = arith.constant 6 : i32
    %broadcast_in_dim3A_326 = vector.broadcast %jit3A_325 : i32 to vector<8x160xi32>
    %select_n3A_327 = arith.select %eq3A_324, %broadcast_in_dim3A_326, %select_n3A_321 : vector<8x160xi1>, vector<8x160xi32>
    %lt3A = arith.cmpi slt, %convert_element_type3A_31, %shift_right_logical3A_40 : vector<8x160xi32>
    %jit3A_328 = arith.constant 49 : i32
    %broadcast_in_dim3A_329 = vector.broadcast %jit3A_328 : i32 to vector<8x160xi32>
    %select_n3A_330 = arith.select %lt3A, %broadcast_in_dim3A_329, %select_n3A_327 : vector<8x160xi1>, vector<8x160xi32>
    %broadcast_in_dim3A_331 = arith.constant 0 : i16
    %broadcast_in_dim3A_332 = vector.broadcast %broadcast_in_dim3A_331 : i16 to vector<8x16x160xi16>
    %eq3A_333 = arith.constant 0 : i32
    %eq3A_334 = vector.broadcast %eq3A_333 : i32 to vector<8x160xi32>
    %eq3A_335 = arith.cmpi eq, %select_n3A_330, %eq3A_334 : vector<8x160xi32>
    %broadcast_in_dim3A_336 = vector.shape_cast %eq3A_335 : vector<8x160xi1> to vector<8x1x160xi1>
    %slice3A_337 = vector.extract_strided_slice %reshape3A {offsets = [0, 0, 0, 0], sizes = [8, 1, 16, 160], strides = [1, 1, 1, 1]} : vector<8x50x16x160xi16> to vector<8x1x16x160xi16>
    %squeeze3A_338 = vector.shape_cast %slice3A_337 : vector<8x1x16x160xi16> to vector<8x16x160xi16>
    %broadcast_in_dim3A_339 = vector.shape_cast %broadcast_in_dim3A_336 : vector<8x1x160xi1> to vector<8x1x160xi1>
    %broadcast_in_dim3A_340 = vector.broadcast %broadcast_in_dim3A_339 : vector<8x1x160xi1> to vector<8x16x160xi1>
    %select_n3A_341 = arith.select %broadcast_in_dim3A_340, %squeeze3A_338, %broadcast_in_dim3A_332 : vector<8x16x160xi1>, vector<8x16x160xi16>
    %eq3A_342 = arith.constant 1 : i32
    %eq3A_343 = vector.broadcast %eq3A_342 : i32 to vector<8x160xi32>
    %eq3A_344 = arith.cmpi eq, %select_n3A_330, %eq3A_343 : vector<8x160xi32>
    %broadcast_in_dim3A_345 = vector.shape_cast %eq3A_344 : vector<8x160xi1> to vector<8x1x160xi1>
    %slice3A_346 = vector.extract_strided_slice %reshape3A {offsets = [0, 1, 0, 0], sizes = [8, 1, 16, 160], strides = [1, 1, 1, 1]} : vector<8x50x16x160xi16> to vector<8x1x16x160xi16>
    %squeeze3A_347 = vector.shape_cast %slice3A_346 : vector<8x1x16x160xi16> to vector<8x16x160xi16>
    %broadcast_in_dim3A_348 = vector.shape_cast %broadcast_in_dim3A_345 : vector<8x1x160xi1> to vector<8x1x160xi1>
    %broadcast_in_dim3A_349 = vector.broadcast %broadcast_in_dim3A_348 : vector<8x1x160xi1> to vector<8x16x160xi1>
    %select_n3A_350 = arith.select %broadcast_in_dim3A_349, %squeeze3A_347, %select_n3A_341 : vector<8x16x160xi1>, vector<8x16x160xi16>
    %eq3A_351 = arith.constant 2 : i32
    %eq3A_352 = vector.broadcast %eq3A_351 : i32 to vector<8x160xi32>
    %eq3A_353 = arith.cmpi eq, %select_n3A_330, %eq3A_352 : vector<8x160xi32>
    %broadcast_in_dim3A_354 = vector.shape_cast %eq3A_353 : vector<8x160xi1> to vector<8x1x160xi1>
    %slice3A_355 = vector.extract_strided_slice %reshape3A {offsets = [0, 2, 0, 0], sizes = [8, 1, 16, 160], strides = [1, 1, 1, 1]} : vector<8x50x16x160xi16> to vector<8x1x16x160xi16>
    %squeeze3A_356 = vector.shape_cast %slice3A_355 : vector<8x1x16x160xi16> to vector<8x16x160xi16>
    %broadcast_in_dim3A_357 = vector.shape_cast %broadcast_in_dim3A_354 : vector<8x1x160xi1> to vector<8x1x160xi1>
    %broadcast_in_dim3A_358 = vector.broadcast %broadcast_in_dim3A_357 : vector<8x1x160xi1> to vector<8x16x160xi1>
    %select_n3A_359 = arith.select %broadcast_in_dim3A_358, %squeeze3A_356, %select_n3A_350 : vector<8x16x160xi1>, vector<8x16x160xi16>
    %eq3A_360 = arith.constant 3 : i32
    %eq3A_361 = vector.broadcast %eq3A_360 : i32 to vector<8x160xi32>
    %eq3A_362 = arith.cmpi eq, %select_n3A_330, %eq3A_361 : vector<8x160xi32>
    %broadcast_in_dim3A_363 = vector.shape_cast %eq3A_362 : vector<8x160xi1> to vector<8x1x160xi1>
    %slice3A_364 = vector.extract_strided_slice %reshape3A {offsets = [0, 3, 0, 0], sizes = [8, 1, 16, 160], strides = [1, 1, 1, 1]} : vector<8x50x16x160xi16> to vector<8x1x16x160xi16>
    %squeeze3A_365 = vector.shape_cast %slice3A_364 : vector<8x1x16x160xi16> to vector<8x16x160xi16>
    %broadcast_in_dim3A_366 = vector.shape_cast %broadcast_in_dim3A_363 : vector<8x1x160xi1> to vector<8x1x160xi1>
    %broadcast_in_dim3A_367 = vector.broadcast %broadcast_in_dim3A_366 : vector<8x1x160xi1> to vector<8x16x160xi1>
    %select_n3A_368 = arith.select %broadcast_in_dim3A_367, %squeeze3A_365, %select_n3A_359 : vector<8x16x160xi1>, vector<8x16x160xi16>
    %eq3A_369 = arith.constant 4 : i32
    %eq3A_370 = vector.broadcast %eq3A_369 : i32 to vector<8x160xi32>
    %eq3A_371 = arith.cmpi eq, %select_n3A_330, %eq3A_370 : vector<8x160xi32>
    %broadcast_in_dim3A_372 = vector.shape_cast %eq3A_371 : vector<8x160xi1> to vector<8x1x160xi1>
    %slice3A_373 = vector.extract_strided_slice %reshape3A {offsets = [0, 4, 0, 0], sizes = [8, 1, 16, 160], strides = [1, 1, 1, 1]} : vector<8x50x16x160xi16> to vector<8x1x16x160xi16>
    %squeeze3A_374 = vector.shape_cast %slice3A_373 : vector<8x1x16x160xi16> to vector<8x16x160xi16>
    %broadcast_in_dim3A_375 = vector.shape_cast %broadcast_in_dim3A_372 : vector<8x1x160xi1> to vector<8x1x160xi1>
    %broadcast_in_dim3A_376 = vector.broadcast %broadcast_in_dim3A_375 : vector<8x1x160xi1> to vector<8x16x160xi1>
    %select_n3A_377 = arith.select %broadcast_in_dim3A_376, %squeeze3A_374, %select_n3A_368 : vector<8x16x160xi1>, vector<8x16x160xi16>
    %eq3A_378 = arith.constant 5 : i32
    %eq3A_379 = vector.broadcast %eq3A_378 : i32 to vector<8x160xi32>
    %eq3A_380 = arith.cmpi eq, %select_n3A_330, %eq3A_379 : vector<8x160xi32>
    %broadcast_in_dim3A_381 = vector.shape_cast %eq3A_380 : vector<8x160xi1> to vector<8x1x160xi1>
    %slice3A_382 = vector.extract_strided_slice %reshape3A {offsets = [0, 5, 0, 0], sizes = [8, 1, 16, 160], strides = [1, 1, 1, 1]} : vector<8x50x16x160xi16> to vector<8x1x16x160xi16>
    %squeeze3A_383 = vector.shape_cast %slice3A_382 : vector<8x1x16x160xi16> to vector<8x16x160xi16>
    %broadcast_in_dim3A_384 = vector.shape_cast %broadcast_in_dim3A_381 : vector<8x1x160xi1> to vector<8x1x160xi1>
    %broadcast_in_dim3A_385 = vector.broadcast %broadcast_in_dim3A_384 : vector<8x1x160xi1> to vector<8x16x160xi1>
    %select_n3A_386 = arith.select %broadcast_in_dim3A_385, %squeeze3A_383, %select_n3A_377 : vector<8x16x160xi1>, vector<8x16x160xi16>
    %eq3A_387 = arith.constant 6 : i32
    %eq3A_388 = vector.broadcast %eq3A_387 : i32 to vector<8x160xi32>
    %eq3A_389 = arith.cmpi eq, %select_n3A_330, %eq3A_388 : vector<8x160xi32>
    %broadcast_in_dim3A_390 = vector.shape_cast %eq3A_389 : vector<8x160xi1> to vector<8x1x160xi1>
    %slice3A_391 = vector.extract_strided_slice %reshape3A {offsets = [0, 6, 0, 0], sizes = [8, 1, 16, 160], strides = [1, 1, 1, 1]} : vector<8x50x16x160xi16> to vector<8x1x16x160xi16>
    %squeeze3A_392 = vector.shape_cast %slice3A_391 : vector<8x1x16x160xi16> to vector<8x16x160xi16>
    %broadcast_in_dim3A_393 = vector.shape_cast %broadcast_in_dim3A_390 : vector<8x1x160xi1> to vector<8x1x160xi1>
    %broadcast_in_dim3A_394 = vector.broadcast %broadcast_in_dim3A_393 : vector<8x1x160xi1> to vector<8x16x160xi1>
    %select_n3A_395 = arith.select %broadcast_in_dim3A_394, %squeeze3A_392, %select_n3A_386 : vector<8x16x160xi1>, vector<8x16x160xi16>
    %eq3A_396 = arith.constant 7 : i32
    %eq3A_397 = vector.broadcast %eq3A_396 : i32 to vector<8x160xi32>
    %eq3A_398 = arith.cmpi eq, %select_n3A_330, %eq3A_397 : vector<8x160xi32>
    %broadcast_in_dim3A_399 = vector.shape_cast %eq3A_398 : vector<8x160xi1> to vector<8x1x160xi1>
    %slice3A_400 = vector.extract_strided_slice %reshape3A {offsets = [0, 7, 0, 0], sizes = [8, 1, 16, 160], strides = [1, 1, 1, 1]} : vector<8x50x16x160xi16> to vector<8x1x16x160xi16>
    %squeeze3A_401 = vector.shape_cast %slice3A_400 : vector<8x1x16x160xi16> to vector<8x16x160xi16>
    %broadcast_in_dim3A_402 = vector.shape_cast %broadcast_in_dim3A_399 : vector<8x1x160xi1> to vector<8x1x160xi1>
    %broadcast_in_dim3A_403 = vector.broadcast %broadcast_in_dim3A_402 : vector<8x1x160xi1> to vector<8x16x160xi1>
    %select_n3A_404 = arith.select %broadcast_in_dim3A_403, %squeeze3A_401, %select_n3A_395 : vector<8x16x160xi1>, vector<8x16x160xi16>
    %eq3A_405 = arith.constant 8 : i32
    %eq3A_406 = vector.broadcast %eq3A_405 : i32 to vector<8x160xi32>
    %eq3A_407 = arith.cmpi eq, %select_n3A_330, %eq3A_406 : vector<8x160xi32>
    %broadcast_in_dim3A_408 = vector.shape_cast %eq3A_407 : vector<8x160xi1> to vector<8x1x160xi1>
    %slice3A_409 = vector.extract_strided_slice %reshape3A {offsets = [0, 8, 0, 0], sizes = [8, 1, 16, 160], strides = [1, 1, 1, 1]} : vector<8x50x16x160xi16> to vector<8x1x16x160xi16>
    %squeeze3A_410 = vector.shape_cast %slice3A_409 : vector<8x1x16x160xi16> to vector<8x16x160xi16>
    %broadcast_in_dim3A_411 = vector.shape_cast %broadcast_in_dim3A_408 : vector<8x1x160xi1> to vector<8x1x160xi1>
    %broadcast_in_dim3A_412 = vector.broadcast %broadcast_in_dim3A_411 : vector<8x1x160xi1> to vector<8x16x160xi1>
    %select_n3A_413 = arith.select %broadcast_in_dim3A_412, %squeeze3A_410, %select_n3A_404 : vector<8x16x160xi1>, vector<8x16x160xi16>
    %eq3A_414 = arith.constant 9 : i32
    %eq3A_415 = vector.broadcast %eq3A_414 : i32 to vector<8x160xi32>
    %eq3A_416 = arith.cmpi eq, %select_n3A_330, %eq3A_415 : vector<8x160xi32>
    %broadcast_in_dim3A_417 = vector.shape_cast %eq3A_416 : vector<8x160xi1> to vector<8x1x160xi1>
    %slice3A_418 = vector.extract_strided_slice %reshape3A {offsets = [0, 9, 0, 0], sizes = [8, 1, 16, 160], strides = [1, 1, 1, 1]} : vector<8x50x16x160xi16> to vector<8x1x16x160xi16>
    %squeeze3A_419 = vector.shape_cast %slice3A_418 : vector<8x1x16x160xi16> to vector<8x16x160xi16>
    %broadcast_in_dim3A_420 = vector.shape_cast %broadcast_in_dim3A_417 : vector<8x1x160xi1> to vector<8x1x160xi1>
    %broadcast_in_dim3A_421 = vector.broadcast %broadcast_in_dim3A_420 : vector<8x1x160xi1> to vector<8x16x160xi1>
    %select_n3A_422 = arith.select %broadcast_in_dim3A_421, %squeeze3A_419, %select_n3A_413 : vector<8x16x160xi1>, vector<8x16x160xi16>
    %eq3A_423 = arith.constant 10 : i32
    %eq3A_424 = vector.broadcast %eq3A_423 : i32 to vector<8x160xi32>
    %eq3A_425 = arith.cmpi eq, %select_n3A_330, %eq3A_424 : vector<8x160xi32>
    %broadcast_in_dim3A_426 = vector.shape_cast %eq3A_425 : vector<8x160xi1> to vector<8x1x160xi1>
    %slice3A_427 = vector.extract_strided_slice %reshape3A {offsets = [0, 10, 0, 0], sizes = [8, 1, 16, 160], strides = [1, 1, 1, 1]} : vector<8x50x16x160xi16> to vector<8x1x16x160xi16>
    %squeeze3A_428 = vector.shape_cast %slice3A_427 : vector<8x1x16x160xi16> to vector<8x16x160xi16>
    %broadcast_in_dim3A_429 = vector.shape_cast %broadcast_in_dim3A_426 : vector<8x1x160xi1> to vector<8x1x160xi1>
    %broadcast_in_dim3A_430 = vector.broadcast %broadcast_in_dim3A_429 : vector<8x1x160xi1> to vector<8x16x160xi1>
    %select_n3A_431 = arith.select %broadcast_in_dim3A_430, %squeeze3A_428, %select_n3A_422 : vector<8x16x160xi1>, vector<8x16x160xi16>
    %eq3A_432 = arith.constant 11 : i32
    %eq3A_433 = vector.broadcast %eq3A_432 : i32 to vector<8x160xi32>
    %eq3A_434 = arith.cmpi eq, %select_n3A_330, %eq3A_433 : vector<8x160xi32>
    %broadcast_in_dim3A_435 = vector.shape_cast %eq3A_434 : vector<8x160xi1> to vector<8x1x160xi1>
    %slice3A_436 = vector.extract_strided_slice %reshape3A {offsets = [0, 11, 0, 0], sizes = [8, 1, 16, 160], strides = [1, 1, 1, 1]} : vector<8x50x16x160xi16> to vector<8x1x16x160xi16>
    %squeeze3A_437 = vector.shape_cast %slice3A_436 : vector<8x1x16x160xi16> to vector<8x16x160xi16>
    %broadcast_in_dim3A_438 = vector.shape_cast %broadcast_in_dim3A_435 : vector<8x1x160xi1> to vector<8x1x160xi1>
    %broadcast_in_dim3A_439 = vector.broadcast %broadcast_in_dim3A_438 : vector<8x1x160xi1> to vector<8x16x160xi1>
    %select_n3A_440 = arith.select %broadcast_in_dim3A_439, %squeeze3A_437, %select_n3A_431 : vector<8x16x160xi1>, vector<8x16x160xi16>
    %eq3A_441 = arith.constant 12 : i32
    %eq3A_442 = vector.broadcast %eq3A_441 : i32 to vector<8x160xi32>
    %eq3A_443 = arith.cmpi eq, %select_n3A_330, %eq3A_442 : vector<8x160xi32>
    %broadcast_in_dim3A_444 = vector.shape_cast %eq3A_443 : vector<8x160xi1> to vector<8x1x160xi1>
    %slice3A_445 = vector.extract_strided_slice %reshape3A {offsets = [0, 12, 0, 0], sizes = [8, 1, 16, 160], strides = [1, 1, 1, 1]} : vector<8x50x16x160xi16> to vector<8x1x16x160xi16>
    %squeeze3A_446 = vector.shape_cast %slice3A_445 : vector<8x1x16x160xi16> to vector<8x16x160xi16>
    %broadcast_in_dim3A_447 = vector.shape_cast %broadcast_in_dim3A_444 : vector<8x1x160xi1> to vector<8x1x160xi1>
    %broadcast_in_dim3A_448 = vector.broadcast %broadcast_in_dim3A_447 : vector<8x1x160xi1> to vector<8x16x160xi1>
    %select_n3A_449 = arith.select %broadcast_in_dim3A_448, %squeeze3A_446, %select_n3A_440 : vector<8x16x160xi1>, vector<8x16x160xi16>
    %eq3A_450 = arith.constant 13 : i32
    %eq3A_451 = vector.broadcast %eq3A_450 : i32 to vector<8x160xi32>
    %eq3A_452 = arith.cmpi eq, %select_n3A_330, %eq3A_451 : vector<8x160xi32>
    %broadcast_in_dim3A_453 = vector.shape_cast %eq3A_452 : vector<8x160xi1> to vector<8x1x160xi1>
    %slice3A_454 = vector.extract_strided_slice %reshape3A {offsets = [0, 13, 0, 0], sizes = [8, 1, 16, 160], strides = [1, 1, 1, 1]} : vector<8x50x16x160xi16> to vector<8x1x16x160xi16>
    %squeeze3A_455 = vector.shape_cast %slice3A_454 : vector<8x1x16x160xi16> to vector<8x16x160xi16>
    %broadcast_in_dim3A_456 = vector.shape_cast %broadcast_in_dim3A_453 : vector<8x1x160xi1> to vector<8x1x160xi1>
    %broadcast_in_dim3A_457 = vector.broadcast %broadcast_in_dim3A_456 : vector<8x1x160xi1> to vector<8x16x160xi1>
    %select_n3A_458 = arith.select %broadcast_in_dim3A_457, %squeeze3A_455, %select_n3A_449 : vector<8x16x160xi1>, vector<8x16x160xi16>
    %eq3A_459 = arith.constant 14 : i32
    %eq3A_460 = vector.broadcast %eq3A_459 : i32 to vector<8x160xi32>
    %eq3A_461 = arith.cmpi eq, %select_n3A_330, %eq3A_460 : vector<8x160xi32>
    %broadcast_in_dim3A_462 = vector.shape_cast %eq3A_461 : vector<8x160xi1> to vector<8x1x160xi1>
    %slice3A_463 = vector.extract_strided_slice %reshape3A {offsets = [0, 14, 0, 0], sizes = [8, 1, 16, 160], strides = [1, 1, 1, 1]} : vector<8x50x16x160xi16> to vector<8x1x16x160xi16>
    %squeeze3A_464 = vector.shape_cast %slice3A_463 : vector<8x1x16x160xi16> to vector<8x16x160xi16>
    %broadcast_in_dim3A_465 = vector.shape_cast %broadcast_in_dim3A_462 : vector<8x1x160xi1> to vector<8x1x160xi1>
    %broadcast_in_dim3A_466 = vector.broadcast %broadcast_in_dim3A_465 : vector<8x1x160xi1> to vector<8x16x160xi1>
    %select_n3A_467 = arith.select %broadcast_in_dim3A_466, %squeeze3A_464, %select_n3A_458 : vector<8x16x160xi1>, vector<8x16x160xi16>
    %eq3A_468 = arith.constant 15 : i32
    %eq3A_469 = vector.broadcast %eq3A_468 : i32 to vector<8x160xi32>
    %eq3A_470 = arith.cmpi eq, %select_n3A_330, %eq3A_469 : vector<8x160xi32>
    %broadcast_in_dim3A_471 = vector.shape_cast %eq3A_470 : vector<8x160xi1> to vector<8x1x160xi1>
    %slice3A_472 = vector.extract_strided_slice %reshape3A {offsets = [0, 15, 0, 0], sizes = [8, 1, 16, 160], strides = [1, 1, 1, 1]} : vector<8x50x16x160xi16> to vector<8x1x16x160xi16>
    %squeeze3A_473 = vector.shape_cast %slice3A_472 : vector<8x1x16x160xi16> to vector<8x16x160xi16>
    %broadcast_in_dim3A_474 = vector.shape_cast %broadcast_in_dim3A_471 : vector<8x1x160xi1> to vector<8x1x160xi1>
    %broadcast_in_dim3A_475 = vector.broadcast %broadcast_in_dim3A_474 : vector<8x1x160xi1> to vector<8x16x160xi1>
    %select_n3A_476 = arith.select %broadcast_in_dim3A_475, %squeeze3A_473, %select_n3A_467 : vector<8x16x160xi1>, vector<8x16x160xi16>
    %eq3A_477 = arith.constant 16 : i32
    %eq3A_478 = vector.broadcast %eq3A_477 : i32 to vector<8x160xi32>
    %eq3A_479 = arith.cmpi eq, %select_n3A_330, %eq3A_478 : vector<8x160xi32>
    %broadcast_in_dim3A_480 = vector.shape_cast %eq3A_479 : vector<8x160xi1> to vector<8x1x160xi1>
    %slice3A_481 = vector.extract_strided_slice %reshape3A {offsets = [0, 16, 0, 0], sizes = [8, 1, 16, 160], strides = [1, 1, 1, 1]} : vector<8x50x16x160xi16> to vector<8x1x16x160xi16>
    %squeeze3A_482 = vector.shape_cast %slice3A_481 : vector<8x1x16x160xi16> to vector<8x16x160xi16>
    %broadcast_in_dim3A_483 = vector.shape_cast %broadcast_in_dim3A_480 : vector<8x1x160xi1> to vector<8x1x160xi1>
    %broadcast_in_dim3A_484 = vector.broadcast %broadcast_in_dim3A_483 : vector<8x1x160xi1> to vector<8x16x160xi1>
    %select_n3A_485 = arith.select %broadcast_in_dim3A_484, %squeeze3A_482, %select_n3A_476 : vector<8x16x160xi1>, vector<8x16x160xi16>
    %eq3A_486 = arith.constant 17 : i32
    %eq3A_487 = vector.broadcast %eq3A_486 : i32 to vector<8x160xi32>
    %eq3A_488 = arith.cmpi eq, %select_n3A_330, %eq3A_487 : vector<8x160xi32>
    %broadcast_in_dim3A_489 = vector.shape_cast %eq3A_488 : vector<8x160xi1> to vector<8x1x160xi1>
    %slice3A_490 = vector.extract_strided_slice %reshape3A {offsets = [0, 17, 0, 0], sizes = [8, 1, 16, 160], strides = [1, 1, 1, 1]} : vector<8x50x16x160xi16> to vector<8x1x16x160xi16>
    %squeeze3A_491 = vector.shape_cast %slice3A_490 : vector<8x1x16x160xi16> to vector<8x16x160xi16>
    %broadcast_in_dim3A_492 = vector.shape_cast %broadcast_in_dim3A_489 : vector<8x1x160xi1> to vector<8x1x160xi1>
    %broadcast_in_dim3A_493 = vector.broadcast %broadcast_in_dim3A_492 : vector<8x1x160xi1> to vector<8x16x160xi1>
    %select_n3A_494 = arith.select %broadcast_in_dim3A_493, %squeeze3A_491, %select_n3A_485 : vector<8x16x160xi1>, vector<8x16x160xi16>
    %eq3A_495 = arith.constant 18 : i32
    %eq3A_496 = vector.broadcast %eq3A_495 : i32 to vector<8x160xi32>
    %eq3A_497 = arith.cmpi eq, %select_n3A_330, %eq3A_496 : vector<8x160xi32>
    %broadcast_in_dim3A_498 = vector.shape_cast %eq3A_497 : vector<8x160xi1> to vector<8x1x160xi1>
    %slice3A_499 = vector.extract_strided_slice %reshape3A {offsets = [0, 18, 0, 0], sizes = [8, 1, 16, 160], strides = [1, 1, 1, 1]} : vector<8x50x16x160xi16> to vector<8x1x16x160xi16>
    %squeeze3A_500 = vector.shape_cast %slice3A_499 : vector<8x1x16x160xi16> to vector<8x16x160xi16>
    %broadcast_in_dim3A_501 = vector.shape_cast %broadcast_in_dim3A_498 : vector<8x1x160xi1> to vector<8x1x160xi1>
    %broadcast_in_dim3A_502 = vector.broadcast %broadcast_in_dim3A_501 : vector<8x1x160xi1> to vector<8x16x160xi1>
    %select_n3A_503 = arith.select %broadcast_in_dim3A_502, %squeeze3A_500, %select_n3A_494 : vector<8x16x160xi1>, vector<8x16x160xi16>
    %eq3A_504 = arith.constant 19 : i32
    %eq3A_505 = vector.broadcast %eq3A_504 : i32 to vector<8x160xi32>
    %eq3A_506 = arith.cmpi eq, %select_n3A_330, %eq3A_505 : vector<8x160xi32>
    %broadcast_in_dim3A_507 = vector.shape_cast %eq3A_506 : vector<8x160xi1> to vector<8x1x160xi1>
    %slice3A_508 = vector.extract_strided_slice %reshape3A {offsets = [0, 19, 0, 0], sizes = [8, 1, 16, 160], strides = [1, 1, 1, 1]} : vector<8x50x16x160xi16> to vector<8x1x16x160xi16>
    %squeeze3A_509 = vector.shape_cast %slice3A_508 : vector<8x1x16x160xi16> to vector<8x16x160xi16>
    %broadcast_in_dim3A_510 = vector.shape_cast %broadcast_in_dim3A_507 : vector<8x1x160xi1> to vector<8x1x160xi1>
    %broadcast_in_dim3A_511 = vector.broadcast %broadcast_in_dim3A_510 : vector<8x1x160xi1> to vector<8x16x160xi1>
    %select_n3A_512 = arith.select %broadcast_in_dim3A_511, %squeeze3A_509, %select_n3A_503 : vector<8x16x160xi1>, vector<8x16x160xi16>
    %eq3A_513 = arith.constant 20 : i32
    %eq3A_514 = vector.broadcast %eq3A_513 : i32 to vector<8x160xi32>
    %eq3A_515 = arith.cmpi eq, %select_n3A_330, %eq3A_514 : vector<8x160xi32>
    %broadcast_in_dim3A_516 = vector.shape_cast %eq3A_515 : vector<8x160xi1> to vector<8x1x160xi1>
    %slice3A_517 = vector.extract_strided_slice %reshape3A {offsets = [0, 20, 0, 0], sizes = [8, 1, 16, 160], strides = [1, 1, 1, 1]} : vector<8x50x16x160xi16> to vector<8x1x16x160xi16>
    %squeeze3A_518 = vector.shape_cast %slice3A_517 : vector<8x1x16x160xi16> to vector<8x16x160xi16>
    %broadcast_in_dim3A_519 = vector.shape_cast %broadcast_in_dim3A_516 : vector<8x1x160xi1> to vector<8x1x160xi1>
    %broadcast_in_dim3A_520 = vector.broadcast %broadcast_in_dim3A_519 : vector<8x1x160xi1> to vector<8x16x160xi1>
    %select_n3A_521 = arith.select %broadcast_in_dim3A_520, %squeeze3A_518, %select_n3A_512 : vector<8x16x160xi1>, vector<8x16x160xi16>
    %eq3A_522 = arith.constant 21 : i32
    %eq3A_523 = vector.broadcast %eq3A_522 : i32 to vector<8x160xi32>
    %eq3A_524 = arith.cmpi eq, %select_n3A_330, %eq3A_523 : vector<8x160xi32>
    %broadcast_in_dim3A_525 = vector.shape_cast %eq3A_524 : vector<8x160xi1> to vector<8x1x160xi1>
    %slice3A_526 = vector.extract_strided_slice %reshape3A {offsets = [0, 21, 0, 0], sizes = [8, 1, 16, 160], strides = [1, 1, 1, 1]} : vector<8x50x16x160xi16> to vector<8x1x16x160xi16>
    %squeeze3A_527 = vector.shape_cast %slice3A_526 : vector<8x1x16x160xi16> to vector<8x16x160xi16>
    %broadcast_in_dim3A_528 = vector.shape_cast %broadcast_in_dim3A_525 : vector<8x1x160xi1> to vector<8x1x160xi1>
    %broadcast_in_dim3A_529 = vector.broadcast %broadcast_in_dim3A_528 : vector<8x1x160xi1> to vector<8x16x160xi1>
    %select_n3A_530 = arith.select %broadcast_in_dim3A_529, %squeeze3A_527, %select_n3A_521 : vector<8x16x160xi1>, vector<8x16x160xi16>
    %eq3A_531 = arith.constant 22 : i32
    %eq3A_532 = vector.broadcast %eq3A_531 : i32 to vector<8x160xi32>
    %eq3A_533 = arith.cmpi eq, %select_n3A_330, %eq3A_532 : vector<8x160xi32>
    %broadcast_in_dim3A_534 = vector.shape_cast %eq3A_533 : vector<8x160xi1> to vector<8x1x160xi1>
    %slice3A_535 = vector.extract_strided_slice %reshape3A {offsets = [0, 22, 0, 0], sizes = [8, 1, 16, 160], strides = [1, 1, 1, 1]} : vector<8x50x16x160xi16> to vector<8x1x16x160xi16>
    %squeeze3A_536 = vector.shape_cast %slice3A_535 : vector<8x1x16x160xi16> to vector<8x16x160xi16>
    %broadcast_in_dim3A_537 = vector.shape_cast %broadcast_in_dim3A_534 : vector<8x1x160xi1> to vector<8x1x160xi1>
    %broadcast_in_dim3A_538 = vector.broadcast %broadcast_in_dim3A_537 : vector<8x1x160xi1> to vector<8x16x160xi1>
    %select_n3A_539 = arith.select %broadcast_in_dim3A_538, %squeeze3A_536, %select_n3A_530 : vector<8x16x160xi1>, vector<8x16x160xi16>
    %eq3A_540 = arith.constant 23 : i32
    %eq3A_541 = vector.broadcast %eq3A_540 : i32 to vector<8x160xi32>
    %eq3A_542 = arith.cmpi eq, %select_n3A_330, %eq3A_541 : vector<8x160xi32>
    %broadcast_in_dim3A_543 = vector.shape_cast %eq3A_542 : vector<8x160xi1> to vector<8x1x160xi1>
    %slice3A_544 = vector.extract_strided_slice %reshape3A {offsets = [0, 23, 0, 0], sizes = [8, 1, 16, 160], strides = [1, 1, 1, 1]} : vector<8x50x16x160xi16> to vector<8x1x16x160xi16>
    %squeeze3A_545 = vector.shape_cast %slice3A_544 : vector<8x1x16x160xi16> to vector<8x16x160xi16>
    %broadcast_in_dim3A_546 = vector.shape_cast %broadcast_in_dim3A_543 : vector<8x1x160xi1> to vector<8x1x160xi1>
    %broadcast_in_dim3A_547 = vector.broadcast %broadcast_in_dim3A_546 : vector<8x1x160xi1> to vector<8x16x160xi1>
    %select_n3A_548 = arith.select %broadcast_in_dim3A_547, %squeeze3A_545, %select_n3A_539 : vector<8x16x160xi1>, vector<8x16x160xi16>
    %eq3A_549 = arith.constant 24 : i32
    %eq3A_550 = vector.broadcast %eq3A_549 : i32 to vector<8x160xi32>
    %eq3A_551 = arith.cmpi eq, %select_n3A_330, %eq3A_550 : vector<8x160xi32>
    %broadcast_in_dim3A_552 = vector.shape_cast %eq3A_551 : vector<8x160xi1> to vector<8x1x160xi1>
    %slice3A_553 = vector.extract_strided_slice %reshape3A {offsets = [0, 24, 0, 0], sizes = [8, 1, 16, 160], strides = [1, 1, 1, 1]} : vector<8x50x16x160xi16> to vector<8x1x16x160xi16>
    %squeeze3A_554 = vector.shape_cast %slice3A_553 : vector<8x1x16x160xi16> to vector<8x16x160xi16>
    %broadcast_in_dim3A_555 = vector.shape_cast %broadcast_in_dim3A_552 : vector<8x1x160xi1> to vector<8x1x160xi1>
    %broadcast_in_dim3A_556 = vector.broadcast %broadcast_in_dim3A_555 : vector<8x1x160xi1> to vector<8x16x160xi1>
    %select_n3A_557 = arith.select %broadcast_in_dim3A_556, %squeeze3A_554, %select_n3A_548 : vector<8x16x160xi1>, vector<8x16x160xi16>
    %eq3A_558 = arith.constant 25 : i32
    %eq3A_559 = vector.broadcast %eq3A_558 : i32 to vector<8x160xi32>
    %eq3A_560 = arith.cmpi eq, %select_n3A_330, %eq3A_559 : vector<8x160xi32>
    %broadcast_in_dim3A_561 = vector.shape_cast %eq3A_560 : vector<8x160xi1> to vector<8x1x160xi1>
    %slice3A_562 = vector.extract_strided_slice %reshape3A {offsets = [0, 25, 0, 0], sizes = [8, 1, 16, 160], strides = [1, 1, 1, 1]} : vector<8x50x16x160xi16> to vector<8x1x16x160xi16>
    %squeeze3A_563 = vector.shape_cast %slice3A_562 : vector<8x1x16x160xi16> to vector<8x16x160xi16>
    %broadcast_in_dim3A_564 = vector.shape_cast %broadcast_in_dim3A_561 : vector<8x1x160xi1> to vector<8x1x160xi1>
    %broadcast_in_dim3A_565 = vector.broadcast %broadcast_in_dim3A_564 : vector<8x1x160xi1> to vector<8x16x160xi1>
    %select_n3A_566 = arith.select %broadcast_in_dim3A_565, %squeeze3A_563, %select_n3A_557 : vector<8x16x160xi1>, vector<8x16x160xi16>
    %eq3A_567 = arith.constant 26 : i32
    %eq3A_568 = vector.broadcast %eq3A_567 : i32 to vector<8x160xi32>
    %eq3A_569 = arith.cmpi eq, %select_n3A_330, %eq3A_568 : vector<8x160xi32>
    %broadcast_in_dim3A_570 = vector.shape_cast %eq3A_569 : vector<8x160xi1> to vector<8x1x160xi1>
    %slice3A_571 = vector.extract_strided_slice %reshape3A {offsets = [0, 26, 0, 0], sizes = [8, 1, 16, 160], strides = [1, 1, 1, 1]} : vector<8x50x16x160xi16> to vector<8x1x16x160xi16>
    %squeeze3A_572 = vector.shape_cast %slice3A_571 : vector<8x1x16x160xi16> to vector<8x16x160xi16>
    %broadcast_in_dim3A_573 = vector.shape_cast %broadcast_in_dim3A_570 : vector<8x1x160xi1> to vector<8x1x160xi1>
    %broadcast_in_dim3A_574 = vector.broadcast %broadcast_in_dim3A_573 : vector<8x1x160xi1> to vector<8x16x160xi1>
    %select_n3A_575 = arith.select %broadcast_in_dim3A_574, %squeeze3A_572, %select_n3A_566 : vector<8x16x160xi1>, vector<8x16x160xi16>
    %eq3A_576 = arith.constant 27 : i32
    %eq3A_577 = vector.broadcast %eq3A_576 : i32 to vector<8x160xi32>
    %eq3A_578 = arith.cmpi eq, %select_n3A_330, %eq3A_577 : vector<8x160xi32>
    %broadcast_in_dim3A_579 = vector.shape_cast %eq3A_578 : vector<8x160xi1> to vector<8x1x160xi1>
    %slice3A_580 = vector.extract_strided_slice %reshape3A {offsets = [0, 27, 0, 0], sizes = [8, 1, 16, 160], strides = [1, 1, 1, 1]} : vector<8x50x16x160xi16> to vector<8x1x16x160xi16>
    %squeeze3A_581 = vector.shape_cast %slice3A_580 : vector<8x1x16x160xi16> to vector<8x16x160xi16>
    %broadcast_in_dim3A_582 = vector.shape_cast %broadcast_in_dim3A_579 : vector<8x1x160xi1> to vector<8x1x160xi1>
    %broadcast_in_dim3A_583 = vector.broadcast %broadcast_in_dim3A_582 : vector<8x1x160xi1> to vector<8x16x160xi1>
    %select_n3A_584 = arith.select %broadcast_in_dim3A_583, %squeeze3A_581, %select_n3A_575 : vector<8x16x160xi1>, vector<8x16x160xi16>
    %eq3A_585 = arith.constant 28 : i32
    %eq3A_586 = vector.broadcast %eq3A_585 : i32 to vector<8x160xi32>
    %eq3A_587 = arith.cmpi eq, %select_n3A_330, %eq3A_586 : vector<8x160xi32>
    %broadcast_in_dim3A_588 = vector.shape_cast %eq3A_587 : vector<8x160xi1> to vector<8x1x160xi1>
    %slice3A_589 = vector.extract_strided_slice %reshape3A {offsets = [0, 28, 0, 0], sizes = [8, 1, 16, 160], strides = [1, 1, 1, 1]} : vector<8x50x16x160xi16> to vector<8x1x16x160xi16>
    %squeeze3A_590 = vector.shape_cast %slice3A_589 : vector<8x1x16x160xi16> to vector<8x16x160xi16>
    %broadcast_in_dim3A_591 = vector.shape_cast %broadcast_in_dim3A_588 : vector<8x1x160xi1> to vector<8x1x160xi1>
    %broadcast_in_dim3A_592 = vector.broadcast %broadcast_in_dim3A_591 : vector<8x1x160xi1> to vector<8x16x160xi1>
    %select_n3A_593 = arith.select %broadcast_in_dim3A_592, %squeeze3A_590, %select_n3A_584 : vector<8x16x160xi1>, vector<8x16x160xi16>
    %eq3A_594 = arith.constant 29 : i32
    %eq3A_595 = vector.broadcast %eq3A_594 : i32 to vector<8x160xi32>
    %eq3A_596 = arith.cmpi eq, %select_n3A_330, %eq3A_595 : vector<8x160xi32>
    %broadcast_in_dim3A_597 = vector.shape_cast %eq3A_596 : vector<8x160xi1> to vector<8x1x160xi1>
    %slice3A_598 = vector.extract_strided_slice %reshape3A {offsets = [0, 29, 0, 0], sizes = [8, 1, 16, 160], strides = [1, 1, 1, 1]} : vector<8x50x16x160xi16> to vector<8x1x16x160xi16>
    %squeeze3A_599 = vector.shape_cast %slice3A_598 : vector<8x1x16x160xi16> to vector<8x16x160xi16>
    %broadcast_in_dim3A_600 = vector.shape_cast %broadcast_in_dim3A_597 : vector<8x1x160xi1> to vector<8x1x160xi1>
    %broadcast_in_dim3A_601 = vector.broadcast %broadcast_in_dim3A_600 : vector<8x1x160xi1> to vector<8x16x160xi1>
    %select_n3A_602 = arith.select %broadcast_in_dim3A_601, %squeeze3A_599, %select_n3A_593 : vector<8x16x160xi1>, vector<8x16x160xi16>
    %eq3A_603 = arith.constant 30 : i32
    %eq3A_604 = vector.broadcast %eq3A_603 : i32 to vector<8x160xi32>
    %eq3A_605 = arith.cmpi eq, %select_n3A_330, %eq3A_604 : vector<8x160xi32>
    %broadcast_in_dim3A_606 = vector.shape_cast %eq3A_605 : vector<8x160xi1> to vector<8x1x160xi1>
    %slice3A_607 = vector.extract_strided_slice %reshape3A {offsets = [0, 30, 0, 0], sizes = [8, 1, 16, 160], strides = [1, 1, 1, 1]} : vector<8x50x16x160xi16> to vector<8x1x16x160xi16>
    %squeeze3A_608 = vector.shape_cast %slice3A_607 : vector<8x1x16x160xi16> to vector<8x16x160xi16>
    %broadcast_in_dim3A_609 = vector.shape_cast %broadcast_in_dim3A_606 : vector<8x1x160xi1> to vector<8x1x160xi1>
    %broadcast_in_dim3A_610 = vector.broadcast %broadcast_in_dim3A_609 : vector<8x1x160xi1> to vector<8x16x160xi1>
    %select_n3A_611 = arith.select %broadcast_in_dim3A_610, %squeeze3A_608, %select_n3A_602 : vector<8x16x160xi1>, vector<8x16x160xi16>
    %eq3A_612 = arith.constant 31 : i32
    %eq3A_613 = vector.broadcast %eq3A_612 : i32 to vector<8x160xi32>
    %eq3A_614 = arith.cmpi eq, %select_n3A_330, %eq3A_613 : vector<8x160xi32>
    %broadcast_in_dim3A_615 = vector.shape_cast %eq3A_614 : vector<8x160xi1> to vector<8x1x160xi1>
    %slice3A_616 = vector.extract_strided_slice %reshape3A {offsets = [0, 31, 0, 0], sizes = [8, 1, 16, 160], strides = [1, 1, 1, 1]} : vector<8x50x16x160xi16> to vector<8x1x16x160xi16>
    %squeeze3A_617 = vector.shape_cast %slice3A_616 : vector<8x1x16x160xi16> to vector<8x16x160xi16>
    %broadcast_in_dim3A_618 = vector.shape_cast %broadcast_in_dim3A_615 : vector<8x1x160xi1> to vector<8x1x160xi1>
    %broadcast_in_dim3A_619 = vector.broadcast %broadcast_in_dim3A_618 : vector<8x1x160xi1> to vector<8x16x160xi1>
    %select_n3A_620 = arith.select %broadcast_in_dim3A_619, %squeeze3A_617, %select_n3A_611 : vector<8x16x160xi1>, vector<8x16x160xi16>
    %eq3A_621 = arith.constant 32 : i32
    %eq3A_622 = vector.broadcast %eq3A_621 : i32 to vector<8x160xi32>
    %eq3A_623 = arith.cmpi eq, %select_n3A_330, %eq3A_622 : vector<8x160xi32>
    %broadcast_in_dim3A_624 = vector.shape_cast %eq3A_623 : vector<8x160xi1> to vector<8x1x160xi1>
    %slice3A_625 = vector.extract_strided_slice %reshape3A {offsets = [0, 32, 0, 0], sizes = [8, 1, 16, 160], strides = [1, 1, 1, 1]} : vector<8x50x16x160xi16> to vector<8x1x16x160xi16>
    %squeeze3A_626 = vector.shape_cast %slice3A_625 : vector<8x1x16x160xi16> to vector<8x16x160xi16>
    %broadcast_in_dim3A_627 = vector.shape_cast %broadcast_in_dim3A_624 : vector<8x1x160xi1> to vector<8x1x160xi1>
    %broadcast_in_dim3A_628 = vector.broadcast %broadcast_in_dim3A_627 : vector<8x1x160xi1> to vector<8x16x160xi1>
    %select_n3A_629 = arith.select %broadcast_in_dim3A_628, %squeeze3A_626, %select_n3A_620 : vector<8x16x160xi1>, vector<8x16x160xi16>
    %eq3A_630 = arith.constant 33 : i32
    %eq3A_631 = vector.broadcast %eq3A_630 : i32 to vector<8x160xi32>
    %eq3A_632 = arith.cmpi eq, %select_n3A_330, %eq3A_631 : vector<8x160xi32>
    %broadcast_in_dim3A_633 = vector.shape_cast %eq3A_632 : vector<8x160xi1> to vector<8x1x160xi1>
    %slice3A_634 = vector.extract_strided_slice %reshape3A {offsets = [0, 33, 0, 0], sizes = [8, 1, 16, 160], strides = [1, 1, 1, 1]} : vector<8x50x16x160xi16> to vector<8x1x16x160xi16>
    %squeeze3A_635 = vector.shape_cast %slice3A_634 : vector<8x1x16x160xi16> to vector<8x16x160xi16>
    %broadcast_in_dim3A_636 = vector.shape_cast %broadcast_in_dim3A_633 : vector<8x1x160xi1> to vector<8x1x160xi1>
    %broadcast_in_dim3A_637 = vector.broadcast %broadcast_in_dim3A_636 : vector<8x1x160xi1> to vector<8x16x160xi1>
    %select_n3A_638 = arith.select %broadcast_in_dim3A_637, %squeeze3A_635, %select_n3A_629 : vector<8x16x160xi1>, vector<8x16x160xi16>
    %eq3A_639 = arith.constant 34 : i32
    %eq3A_640 = vector.broadcast %eq3A_639 : i32 to vector<8x160xi32>
    %eq3A_641 = arith.cmpi eq, %select_n3A_330, %eq3A_640 : vector<8x160xi32>
    %broadcast_in_dim3A_642 = vector.shape_cast %eq3A_641 : vector<8x160xi1> to vector<8x1x160xi1>
    %slice3A_643 = vector.extract_strided_slice %reshape3A {offsets = [0, 34, 0, 0], sizes = [8, 1, 16, 160], strides = [1, 1, 1, 1]} : vector<8x50x16x160xi16> to vector<8x1x16x160xi16>
    %squeeze3A_644 = vector.shape_cast %slice3A_643 : vector<8x1x16x160xi16> to vector<8x16x160xi16>
    %broadcast_in_dim3A_645 = vector.shape_cast %broadcast_in_dim3A_642 : vector<8x1x160xi1> to vector<8x1x160xi1>
    %broadcast_in_dim3A_646 = vector.broadcast %broadcast_in_dim3A_645 : vector<8x1x160xi1> to vector<8x16x160xi1>
    %select_n3A_647 = arith.select %broadcast_in_dim3A_646, %squeeze3A_644, %select_n3A_638 : vector<8x16x160xi1>, vector<8x16x160xi16>
    %eq3A_648 = arith.constant 35 : i32
    %eq3A_649 = vector.broadcast %eq3A_648 : i32 to vector<8x160xi32>
    %eq3A_650 = arith.cmpi eq, %select_n3A_330, %eq3A_649 : vector<8x160xi32>
    %broadcast_in_dim3A_651 = vector.shape_cast %eq3A_650 : vector<8x160xi1> to vector<8x1x160xi1>
    %slice3A_652 = vector.extract_strided_slice %reshape3A {offsets = [0, 35, 0, 0], sizes = [8, 1, 16, 160], strides = [1, 1, 1, 1]} : vector<8x50x16x160xi16> to vector<8x1x16x160xi16>
    %squeeze3A_653 = vector.shape_cast %slice3A_652 : vector<8x1x16x160xi16> to vector<8x16x160xi16>
    %broadcast_in_dim3A_654 = vector.shape_cast %broadcast_in_dim3A_651 : vector<8x1x160xi1> to vector<8x1x160xi1>
    %broadcast_in_dim3A_655 = vector.broadcast %broadcast_in_dim3A_654 : vector<8x1x160xi1> to vector<8x16x160xi1>
    %select_n3A_656 = arith.select %broadcast_in_dim3A_655, %squeeze3A_653, %select_n3A_647 : vector<8x16x160xi1>, vector<8x16x160xi16>
    %eq3A_657 = arith.constant 36 : i32
    %eq3A_658 = vector.broadcast %eq3A_657 : i32 to vector<8x160xi32>
    %eq3A_659 = arith.cmpi eq, %select_n3A_330, %eq3A_658 : vector<8x160xi32>
    %broadcast_in_dim3A_660 = vector.shape_cast %eq3A_659 : vector<8x160xi1> to vector<8x1x160xi1>
    %slice3A_661 = vector.extract_strided_slice %reshape3A {offsets = [0, 36, 0, 0], sizes = [8, 1, 16, 160], strides = [1, 1, 1, 1]} : vector<8x50x16x160xi16> to vector<8x1x16x160xi16>
    %squeeze3A_662 = vector.shape_cast %slice3A_661 : vector<8x1x16x160xi16> to vector<8x16x160xi16>
    %broadcast_in_dim3A_663 = vector.shape_cast %broadcast_in_dim3A_660 : vector<8x1x160xi1> to vector<8x1x160xi1>
    %broadcast_in_dim3A_664 = vector.broadcast %broadcast_in_dim3A_663 : vector<8x1x160xi1> to vector<8x16x160xi1>
    %select_n3A_665 = arith.select %broadcast_in_dim3A_664, %squeeze3A_662, %select_n3A_656 : vector<8x16x160xi1>, vector<8x16x160xi16>
    %eq3A_666 = arith.constant 37 : i32
    %eq3A_667 = vector.broadcast %eq3A_666 : i32 to vector<8x160xi32>
    %eq3A_668 = arith.cmpi eq, %select_n3A_330, %eq3A_667 : vector<8x160xi32>
    %broadcast_in_dim3A_669 = vector.shape_cast %eq3A_668 : vector<8x160xi1> to vector<8x1x160xi1>
    %slice3A_670 = vector.extract_strided_slice %reshape3A {offsets = [0, 37, 0, 0], sizes = [8, 1, 16, 160], strides = [1, 1, 1, 1]} : vector<8x50x16x160xi16> to vector<8x1x16x160xi16>
    %squeeze3A_671 = vector.shape_cast %slice3A_670 : vector<8x1x16x160xi16> to vector<8x16x160xi16>
    %broadcast_in_dim3A_672 = vector.shape_cast %broadcast_in_dim3A_669 : vector<8x1x160xi1> to vector<8x1x160xi1>
    %broadcast_in_dim3A_673 = vector.broadcast %broadcast_in_dim3A_672 : vector<8x1x160xi1> to vector<8x16x160xi1>
    %select_n3A_674 = arith.select %broadcast_in_dim3A_673, %squeeze3A_671, %select_n3A_665 : vector<8x16x160xi1>, vector<8x16x160xi16>
    %eq3A_675 = arith.constant 38 : i32
    %eq3A_676 = vector.broadcast %eq3A_675 : i32 to vector<8x160xi32>
    %eq3A_677 = arith.cmpi eq, %select_n3A_330, %eq3A_676 : vector<8x160xi32>
    %broadcast_in_dim3A_678 = vector.shape_cast %eq3A_677 : vector<8x160xi1> to vector<8x1x160xi1>
    %slice3A_679 = vector.extract_strided_slice %reshape3A {offsets = [0, 38, 0, 0], sizes = [8, 1, 16, 160], strides = [1, 1, 1, 1]} : vector<8x50x16x160xi16> to vector<8x1x16x160xi16>
    %squeeze3A_680 = vector.shape_cast %slice3A_679 : vector<8x1x16x160xi16> to vector<8x16x160xi16>
    %broadcast_in_dim3A_681 = vector.shape_cast %broadcast_in_dim3A_678 : vector<8x1x160xi1> to vector<8x1x160xi1>
    %broadcast_in_dim3A_682 = vector.broadcast %broadcast_in_dim3A_681 : vector<8x1x160xi1> to vector<8x16x160xi1>
    %select_n3A_683 = arith.select %broadcast_in_dim3A_682, %squeeze3A_680, %select_n3A_674 : vector<8x16x160xi1>, vector<8x16x160xi16>
    %eq3A_684 = arith.constant 39 : i32
    %eq3A_685 = vector.broadcast %eq3A_684 : i32 to vector<8x160xi32>
    %eq3A_686 = arith.cmpi eq, %select_n3A_330, %eq3A_685 : vector<8x160xi32>
    %broadcast_in_dim3A_687 = vector.shape_cast %eq3A_686 : vector<8x160xi1> to vector<8x1x160xi1>
    %slice3A_688 = vector.extract_strided_slice %reshape3A {offsets = [0, 39, 0, 0], sizes = [8, 1, 16, 160], strides = [1, 1, 1, 1]} : vector<8x50x16x160xi16> to vector<8x1x16x160xi16>
    %squeeze3A_689 = vector.shape_cast %slice3A_688 : vector<8x1x16x160xi16> to vector<8x16x160xi16>
    %broadcast_in_dim3A_690 = vector.shape_cast %broadcast_in_dim3A_687 : vector<8x1x160xi1> to vector<8x1x160xi1>
    %broadcast_in_dim3A_691 = vector.broadcast %broadcast_in_dim3A_690 : vector<8x1x160xi1> to vector<8x16x160xi1>
    %select_n3A_692 = arith.select %broadcast_in_dim3A_691, %squeeze3A_689, %select_n3A_683 : vector<8x16x160xi1>, vector<8x16x160xi16>
    %eq3A_693 = arith.constant 40 : i32
    %eq3A_694 = vector.broadcast %eq3A_693 : i32 to vector<8x160xi32>
    %eq3A_695 = arith.cmpi eq, %select_n3A_330, %eq3A_694 : vector<8x160xi32>
    %broadcast_in_dim3A_696 = vector.shape_cast %eq3A_695 : vector<8x160xi1> to vector<8x1x160xi1>
    %slice3A_697 = vector.extract_strided_slice %reshape3A {offsets = [0, 40, 0, 0], sizes = [8, 1, 16, 160], strides = [1, 1, 1, 1]} : vector<8x50x16x160xi16> to vector<8x1x16x160xi16>
    %squeeze3A_698 = vector.shape_cast %slice3A_697 : vector<8x1x16x160xi16> to vector<8x16x160xi16>
    %broadcast_in_dim3A_699 = vector.shape_cast %broadcast_in_dim3A_696 : vector<8x1x160xi1> to vector<8x1x160xi1>
    %broadcast_in_dim3A_700 = vector.broadcast %broadcast_in_dim3A_699 : vector<8x1x160xi1> to vector<8x16x160xi1>
    %select_n3A_701 = arith.select %broadcast_in_dim3A_700, %squeeze3A_698, %select_n3A_692 : vector<8x16x160xi1>, vector<8x16x160xi16>
    %eq3A_702 = arith.constant 41 : i32
    %eq3A_703 = vector.broadcast %eq3A_702 : i32 to vector<8x160xi32>
    %eq3A_704 = arith.cmpi eq, %select_n3A_330, %eq3A_703 : vector<8x160xi32>
    %broadcast_in_dim3A_705 = vector.shape_cast %eq3A_704 : vector<8x160xi1> to vector<8x1x160xi1>
    %slice3A_706 = vector.extract_strided_slice %reshape3A {offsets = [0, 41, 0, 0], sizes = [8, 1, 16, 160], strides = [1, 1, 1, 1]} : vector<8x50x16x160xi16> to vector<8x1x16x160xi16>
    %squeeze3A_707 = vector.shape_cast %slice3A_706 : vector<8x1x16x160xi16> to vector<8x16x160xi16>
    %broadcast_in_dim3A_708 = vector.shape_cast %broadcast_in_dim3A_705 : vector<8x1x160xi1> to vector<8x1x160xi1>
    %broadcast_in_dim3A_709 = vector.broadcast %broadcast_in_dim3A_708 : vector<8x1x160xi1> to vector<8x16x160xi1>
    %select_n3A_710 = arith.select %broadcast_in_dim3A_709, %squeeze3A_707, %select_n3A_701 : vector<8x16x160xi1>, vector<8x16x160xi16>
    %eq3A_711 = arith.constant 42 : i32
    %eq3A_712 = vector.broadcast %eq3A_711 : i32 to vector<8x160xi32>
    %eq3A_713 = arith.cmpi eq, %select_n3A_330, %eq3A_712 : vector<8x160xi32>
    %broadcast_in_dim3A_714 = vector.shape_cast %eq3A_713 : vector<8x160xi1> to vector<8x1x160xi1>
    %slice3A_715 = vector.extract_strided_slice %reshape3A {offsets = [0, 42, 0, 0], sizes = [8, 1, 16, 160], strides = [1, 1, 1, 1]} : vector<8x50x16x160xi16> to vector<8x1x16x160xi16>
    %squeeze3A_716 = vector.shape_cast %slice3A_715 : vector<8x1x16x160xi16> to vector<8x16x160xi16>
    %broadcast_in_dim3A_717 = vector.shape_cast %broadcast_in_dim3A_714 : vector<8x1x160xi1> to vector<8x1x160xi1>
    %broadcast_in_dim3A_718 = vector.broadcast %broadcast_in_dim3A_717 : vector<8x1x160xi1> to vector<8x16x160xi1>
    %select_n3A_719 = arith.select %broadcast_in_dim3A_718, %squeeze3A_716, %select_n3A_710 : vector<8x16x160xi1>, vector<8x16x160xi16>
    %eq3A_720 = arith.constant 43 : i32
    %eq3A_721 = vector.broadcast %eq3A_720 : i32 to vector<8x160xi32>
    %eq3A_722 = arith.cmpi eq, %select_n3A_330, %eq3A_721 : vector<8x160xi32>
    %broadcast_in_dim3A_723 = vector.shape_cast %eq3A_722 : vector<8x160xi1> to vector<8x1x160xi1>
    %slice3A_724 = vector.extract_strided_slice %reshape3A {offsets = [0, 43, 0, 0], sizes = [8, 1, 16, 160], strides = [1, 1, 1, 1]} : vector<8x50x16x160xi16> to vector<8x1x16x160xi16>
    %squeeze3A_725 = vector.shape_cast %slice3A_724 : vector<8x1x16x160xi16> to vector<8x16x160xi16>
    %broadcast_in_dim3A_726 = vector.shape_cast %broadcast_in_dim3A_723 : vector<8x1x160xi1> to vector<8x1x160xi1>
    %broadcast_in_dim3A_727 = vector.broadcast %broadcast_in_dim3A_726 : vector<8x1x160xi1> to vector<8x16x160xi1>
    %select_n3A_728 = arith.select %broadcast_in_dim3A_727, %squeeze3A_725, %select_n3A_719 : vector<8x16x160xi1>, vector<8x16x160xi16>
    %eq3A_729 = arith.constant 44 : i32
    %eq3A_730 = vector.broadcast %eq3A_729 : i32 to vector<8x160xi32>
    %eq3A_731 = arith.cmpi eq, %select_n3A_330, %eq3A_730 : vector<8x160xi32>
    %broadcast_in_dim3A_732 = vector.shape_cast %eq3A_731 : vector<8x160xi1> to vector<8x1x160xi1>
    %slice3A_733 = vector.extract_strided_slice %reshape3A {offsets = [0, 44, 0, 0], sizes = [8, 1, 16, 160], strides = [1, 1, 1, 1]} : vector<8x50x16x160xi16> to vector<8x1x16x160xi16>
    %squeeze3A_734 = vector.shape_cast %slice3A_733 : vector<8x1x16x160xi16> to vector<8x16x160xi16>
    %broadcast_in_dim3A_735 = vector.shape_cast %broadcast_in_dim3A_732 : vector<8x1x160xi1> to vector<8x1x160xi1>
    %broadcast_in_dim3A_736 = vector.broadcast %broadcast_in_dim3A_735 : vector<8x1x160xi1> to vector<8x16x160xi1>
    %select_n3A_737 = arith.select %broadcast_in_dim3A_736, %squeeze3A_734, %select_n3A_728 : vector<8x16x160xi1>, vector<8x16x160xi16>
    %eq3A_738 = arith.constant 45 : i32
    %eq3A_739 = vector.broadcast %eq3A_738 : i32 to vector<8x160xi32>
    %eq3A_740 = arith.cmpi eq, %select_n3A_330, %eq3A_739 : vector<8x160xi32>
    %broadcast_in_dim3A_741 = vector.shape_cast %eq3A_740 : vector<8x160xi1> to vector<8x1x160xi1>
    %slice3A_742 = vector.extract_strided_slice %reshape3A {offsets = [0, 45, 0, 0], sizes = [8, 1, 16, 160], strides = [1, 1, 1, 1]} : vector<8x50x16x160xi16> to vector<8x1x16x160xi16>
    %squeeze3A_743 = vector.shape_cast %slice3A_742 : vector<8x1x16x160xi16> to vector<8x16x160xi16>
    %broadcast_in_dim3A_744 = vector.shape_cast %broadcast_in_dim3A_741 : vector<8x1x160xi1> to vector<8x1x160xi1>
    %broadcast_in_dim3A_745 = vector.broadcast %broadcast_in_dim3A_744 : vector<8x1x160xi1> to vector<8x16x160xi1>
    %select_n3A_746 = arith.select %broadcast_in_dim3A_745, %squeeze3A_743, %select_n3A_737 : vector<8x16x160xi1>, vector<8x16x160xi16>
    %eq3A_747 = arith.constant 46 : i32
    %eq3A_748 = vector.broadcast %eq3A_747 : i32 to vector<8x160xi32>
    %eq3A_749 = arith.cmpi eq, %select_n3A_330, %eq3A_748 : vector<8x160xi32>
    %broadcast_in_dim3A_750 = vector.shape_cast %eq3A_749 : vector<8x160xi1> to vector<8x1x160xi1>
    %slice3A_751 = vector.extract_strided_slice %reshape3A {offsets = [0, 46, 0, 0], sizes = [8, 1, 16, 160], strides = [1, 1, 1, 1]} : vector<8x50x16x160xi16> to vector<8x1x16x160xi16>
    %squeeze3A_752 = vector.shape_cast %slice3A_751 : vector<8x1x16x160xi16> to vector<8x16x160xi16>
    %broadcast_in_dim3A_753 = vector.shape_cast %broadcast_in_dim3A_750 : vector<8x1x160xi1> to vector<8x1x160xi1>
    %broadcast_in_dim3A_754 = vector.broadcast %broadcast_in_dim3A_753 : vector<8x1x160xi1> to vector<8x16x160xi1>
    %select_n3A_755 = arith.select %broadcast_in_dim3A_754, %squeeze3A_752, %select_n3A_746 : vector<8x16x160xi1>, vector<8x16x160xi16>
    %eq3A_756 = arith.constant 47 : i32
    %eq3A_757 = vector.broadcast %eq3A_756 : i32 to vector<8x160xi32>
    %eq3A_758 = arith.cmpi eq, %select_n3A_330, %eq3A_757 : vector<8x160xi32>
    %broadcast_in_dim3A_759 = vector.shape_cast %eq3A_758 : vector<8x160xi1> to vector<8x1x160xi1>
    %slice3A_760 = vector.extract_strided_slice %reshape3A {offsets = [0, 47, 0, 0], sizes = [8, 1, 16, 160], strides = [1, 1, 1, 1]} : vector<8x50x16x160xi16> to vector<8x1x16x160xi16>
    %squeeze3A_761 = vector.shape_cast %slice3A_760 : vector<8x1x16x160xi16> to vector<8x16x160xi16>
    %broadcast_in_dim3A_762 = vector.shape_cast %broadcast_in_dim3A_759 : vector<8x1x160xi1> to vector<8x1x160xi1>
    %broadcast_in_dim3A_763 = vector.broadcast %broadcast_in_dim3A_762 : vector<8x1x160xi1> to vector<8x16x160xi1>
    %select_n3A_764 = arith.select %broadcast_in_dim3A_763, %squeeze3A_761, %select_n3A_755 : vector<8x16x160xi1>, vector<8x16x160xi16>
    %eq3A_765 = arith.constant 48 : i32
    %eq3A_766 = vector.broadcast %eq3A_765 : i32 to vector<8x160xi32>
    %eq3A_767 = arith.cmpi eq, %select_n3A_330, %eq3A_766 : vector<8x160xi32>
    %broadcast_in_dim3A_768 = vector.shape_cast %eq3A_767 : vector<8x160xi1> to vector<8x1x160xi1>
    %slice3A_769 = vector.extract_strided_slice %reshape3A {offsets = [0, 48, 0, 0], sizes = [8, 1, 16, 160], strides = [1, 1, 1, 1]} : vector<8x50x16x160xi16> to vector<8x1x16x160xi16>
    %squeeze3A_770 = vector.shape_cast %slice3A_769 : vector<8x1x16x160xi16> to vector<8x16x160xi16>
    %broadcast_in_dim3A_771 = vector.shape_cast %broadcast_in_dim3A_768 : vector<8x1x160xi1> to vector<8x1x160xi1>
    %broadcast_in_dim3A_772 = vector.broadcast %broadcast_in_dim3A_771 : vector<8x1x160xi1> to vector<8x16x160xi1>
    %select_n3A_773 = arith.select %broadcast_in_dim3A_772, %squeeze3A_770, %select_n3A_764 : vector<8x16x160xi1>, vector<8x16x160xi16>
    %eq3A_774 = arith.constant 49 : i32
    %eq3A_775 = vector.broadcast %eq3A_774 : i32 to vector<8x160xi32>
    %eq3A_776 = arith.cmpi eq, %select_n3A_330, %eq3A_775 : vector<8x160xi32>
    %broadcast_in_dim3A_777 = vector.shape_cast %eq3A_776 : vector<8x160xi1> to vector<8x1x160xi1>
    %slice3A_778 = vector.extract_strided_slice %reshape3A {offsets = [0, 49, 0, 0], sizes = [8, 1, 16, 160], strides = [1, 1, 1, 1]} : vector<8x50x16x160xi16> to vector<8x1x16x160xi16>
    %squeeze3A_779 = vector.shape_cast %slice3A_778 : vector<8x1x16x160xi16> to vector<8x16x160xi16>
    %broadcast_in_dim3A_780 = vector.shape_cast %broadcast_in_dim3A_777 : vector<8x1x160xi1> to vector<8x1x160xi1>
    %broadcast_in_dim3A_781 = vector.broadcast %broadcast_in_dim3A_780 : vector<8x1x160xi1> to vector<8x16x160xi1>
    %select_n3A_782 = arith.select %broadcast_in_dim3A_781, %squeeze3A_779, %select_n3A_773 : vector<8x16x160xi1>, vector<8x16x160xi16>
    %swap3A_783 = arith.constant 0 : index
    %swap3A_784 = arith.constant 0 : index
    %swap3A_785 = arith.constant 0 : index
    %swap3A_786 = vector.load %arg6[%swap3A_783, %swap3A_784, %swap3A_785] : memref<8x16x160xi16, #tpu.memory_space<vmem>>, vector<8x16x160xi16>
    tpu.vector_store %arg6[%swap3A_783, %swap3A_784, %swap3A_785], %select_n3A_782 {strides = array<i32>} : memref<8x16x160xi16, #tpu.memory_space<vmem>>, vector<8x16x160xi16>,
    return
  }
  func.func @transform_0(%arg0: i32) -> (i32, i32, i32) {
    %c0_i32 = arith.constant 0 : i32
    %c0_i32_0 = arith.constant 0 : i32
    %c0_i32_1 = arith.constant 0 : i32
    return %arg0, %c0_i32, %c0_i32_0 : i32, i32, i32
  }
  func.func @transform_1(%arg0: i32) -> (i32, i32, i32) {
    %c0_i32 = arith.constant 0 : i32
    %c0_i32_0 = arith.constant 0 : i32
    %c0_i32_1 = arith.constant 0 : i32
    return %arg0, %c0_i32, %c0_i32_0 : i32, i32, i32
  }
  func.func @transform_2(%arg0: i32) -> (i32, i32) {
    %c0_i32 = arith.constant 0 : i32
    %c0_i32_0 = arith.constant 0 : i32
    %c0_i32_1 = arith.constant 0 : i32
    return %c0_i32, %c0_i32_0 : i32, i32
  }
  func.func @transform_3(%arg0: i32) -> (i32, i32) {
    %c0_i32 = arith.constant 0 : i32
    %c0_i32_0 = arith.constant 0 : i32
    return %arg0, %c0_i32 : i32, i32
  }
  func.func @transform_4(%arg0: i32) -> (i32, i32) {
    %c0_i32 = arith.constant 0 : i32
    %c0_i32_0 = arith.constant 0 : i32
    return %arg0, %c0_i32 : i32, i32
  }
  func.func @transform_5(%arg0: i32) -> (i32, i32, i32) {
    %c0_i32 = arith.constant 0 : i32
    %c0_i32_0 = arith.constant 0 : i32
    %c0_i32_1 = arith.constant 0 : i32
    return %arg0, %c0_i32, %c0_i32_0 : i32, i32, i32
  }
}

</mosaic_0001>

<sc_bundles>
// kernel: kernel.4.cloned.1.call-start
scs
__scs_entry_jumppad:
0x0: {  	(pc) =	sbr.rel $0x88, $3  }
0x1: {  	(tag) =	ssettag $0x0;
	lr =	simm.s32 $0x1  }
0x2: {  	[smem:$0x3F9F] =	sst lr;
	_ =	strace $0xD0000000  }
0x3: {  	_ = 	snop  }
0x4: {  	_ = 	snop  }
0x5: {  	_ = 	snop  }
0x6: {  	_ = 	snop  }
0x7: {  	_ = 	snop  }
__scs_overlays_trampoline_lowered:
0x8: {  	[smem:$0x3FAE] =	sst s0  }
0x9: {  	[smem:$0x3FAF] =	sst s1  }
0xa: {  	[smem:$0x3FB0] =	sst s2  }
0xb: {  	[smem:$0x3FB1] =	sst s3  }
0xc: {  	[smem:$0x3FB2] =	sst s4  }
0xd: {  	[smem:$0x3FB3] =	sst s5  }
0xe: {  	[smem:$0x3FB4] =	sst s6  }
0xf: {  	[smem:$0x3FB5] =	sst s7  }
0x10: {  	[smem:$0x3FB6] =	sst s8  }
0x11: {  	[smem:$0x3FB7] =	sst s9;
	s0 =	simm.s32 @!p0 $0x0  }
0x12: {  	s1 =	sld [smem:$0x3F9D];
	s0 =	simm.s32 @p0 $0x1  }
0x13: {  	[smem:$0x3FB8] =	sst s0;
	s0 =	simm.s32 @!p1 $0x0  }
0x14: {  	s2 =	sld [smem:$0x3F9C];
	s0 =	simm.s32 @p1 $0x1  }
0x15: {  	[smem:$0x3FB9] =	sst s0;
	s0 =	simm.s32 @!p2 $0x0  }
0x16: {  	s3 =	sld [smem:$0x3FDB];
	s0 =	simm.s32 @p2 $0x1  }
0x17: {  	s4 =	simm.s32 $0x1BF5;
	[smem:$0x3FBB] =	sst s0  }
0x18: {  	s0 =	sld [smem:$0x3F9E];
	_ =	swait.ge [sflag:s4], $0x0  }
0x19: {  	s7 =	sld [smem:$0x3F9F]  }
0x1a: {  	s8 =	sadd.s32 $0xFFFFE003, lr  }
0x1b: {  	s9 =	sadd.s32 $0xFFFFFEF7, lr;
	s5 =	simm.s32 $0xFFFFFFFF;
	p2 =	slt.u32 s8, $0xFFFFF086  }
0x1c: {  	p1 =	slt.u32 s9, $0xF7A;
	s5 =	simm.s32 @!p2 $0x0  }
0x1d: {  	s5 =	simm.s32 @p1 $0x1;
	p0 =	seq.s32 s7, s2  }
0x1e: {  	s7 =	smul.u32 @!p0 $0xF7A, s2;
	p2 =	seq.s32 @!p0 s5, $0x0  }
0x1f: {  	s9 =	smul.u32 $0xF7A, s1;
	s8 =	simm.s32 @!p0 $0x1BF5;
	p2 =	por !p2, p0  }
0x20: {  	[sflag:s8] =	ssyncset.s32 @!p0 $0xFFFFF086;
	s6 =	sadd.s32 @!p0 s3, s7;
	s7 =	simm.s32 @!p0 $0x108  }
0x21: {  	s3 =	sadd.s32 s3, s9;
	s6 =	sadd.s32 @!p0 $0x88, s6;
	s7 =	simm.s32 @p2 $0x1082  }
0x22: {  	[simem:s7], [sflag:s8] =	dma.local @!p0 [hbm:s6], $0xF7A  }
0x23: {  	s9 =	sor.u32 $0xD0000000, s2;
	s6 =	simm.s32 $0x108;
	_ =	swait.ge @!p0 [sflag:s8], $0x0  }
0x24: {  	s3 =	sadd.s32 $0x88, s3;
	s6 =	simm.s32 @!p1 $0x1082;
	[sflag:s4] =	ssyncset.s32 $0xFFFFF086  }
0x25: {  	[simem:s6], [sflag:s4] =	dma.local [hbm:s3], $0xF7A  }
0x26: {  	[smem:$0x3F9F] =	sst s1;
	(tag) =	ssettag s2;
	_ =	strace s9  }
0x27: {  	s1 =	sld [smem:$0x3FAF]  }
0x28: {  	s2 =	sld [smem:$0x3FB0]  }
0x29: {  	s4 =	sld [smem:$0x3FB2]  }
0x2a: {  	p0 =	seq.s32 s5, $0x0;
	s5 =	sld [smem:$0x3FB3]  }
0x2b: {  	s6 =	sld [smem:$0x3FB4]  }
0x2c: {  	s7 =	sld [smem:$0x3FB5]  }
0x2d: {  	s3 =	simm.s32 $0x108;
	s8 =	sld [smem:$0x3FB6]  }
0x2e: {  	s3 =	simm.s32 @!p0 $0x1082;
	s9 =	sld [smem:$0x3FB7]  }
0x2f: {  	lr =	sadd.s32 s0, s3;
	s0 =	sld [smem:$0x3FAE]  }
0x30: {  	s3 =	sld [smem:$0x3FB1]  }
0x31: {  	[smem:$0x3FBA] =	sst s10  }
0x32: {  	s10 =	sld [smem:$0x3FB8];
	_ =	sdelay $0x3  }
0x33: {  	p0 =	seq.s32 s10, $0x1;
	s10 =	sld [smem:$0x3FBA];
	_ =	sdelay $0x3  }
0x34: {  	[smem:$0x3FBA] =	sst s10  }
0x35: {  	s10 =	sld [smem:$0x3FB9];
	_ =	sdelay $0x3  }
0x36: {  	p1 =	seq.s32 s10, $0x1;
	s10 =	sld [smem:$0x3FBA];
	_ =	sdelay $0x3  }
0x37: {  	[smem:$0x3FBA] =	sst s10  }
0x38: {  	s10 =	sld [smem:$0x3FBB]  }
0x39: {  	_ = 	snop;
	(pc) =	sbr.ind lr, $3  }
0x3a: {  	_ = 	snop  }
0x3b: {  	_ = 	snop  }
0x3c: {  	p2 =	seq.s32 s10, $0x1;
	s10 =	sld [smem:$0x3FBA]  }
0x3d: {  	_ =	shalt  }
0x3e: {  	_ =	shalt  }
0x3f: {  	_ =	shalt  }
0x40: {  	_ =	shalt  }
0x41: {  	_ =	shalt  }
0x42: {  	_ =	shalt  }
0x43: {  	_ =	shalt  }
0x44: {  	_ =	shalt  }
0x45: {  	_ =	shalt  }
0x46: {  	_ =	shalt  }
0x47: {  	_ =	shalt  }
0x48: {  	_ =	shalt  }
0x49: {  	_ =	shalt  }
0x4a: {  	_ =	shalt  }
0x4b: {  	_ =	shalt  }
0x4c: {  	_ =	shalt  }
0x4d: {  	_ =	shalt  }
0x4e: {  	_ =	shalt  }
0x4f: {  	_ =	shalt  }
0x50: {  	_ =	shalt  }
0x51: {  	_ =	shalt  }
0x52: {  	_ =	shalt  }
0x53: {  	_ =	shalt  }
0x54: {  	_ =	shalt  }
0x55: {  	_ =	shalt  }
0x56: {  	_ =	shalt  }
0x57: {  	_ =	shalt  }
0x58: {  	_ =	shalt  }
0x59: {  	_ =	shalt  }
0x5a: {  	_ =	shalt  }
0x5b: {  	_ =	shalt  }
0x5c: {  	_ =	shalt  }
0x5d: {  	_ =	shalt  }
0x5e: {  	_ =	shalt  }
0x5f: {  	_ =	shalt  }
0x60: {  	_ =	shalt  }
0x61: {  	_ =	shalt  }
0x62: {  	_ =	shalt  }
0x63: {  	_ =	shalt  }
0x64: {  	_ =	shalt  }
0x65: {  	_ =	shalt  }
0x66: {  	_ =	shalt  }
0x67: {  	_ =	shalt  }
0x68: {  	_ =	shalt  }
0x69: {  	_ =	shalt  }
0x6a: {  	_ =	shalt  }
0x6b: {  	_ =	shalt  }
0x6c: {  	_ =	shalt  }
0x6d: {  	_ =	shalt  }
0x6e: {  	_ =	shalt  }
0x6f: {  	_ =	shalt  }
0x70: {  	_ =	shalt  }
0x71: {  	_ =	shalt  }
0x72: {  	_ =	shalt  }
0x73: {  	_ =	shalt  }
0x74: {  	_ =	shalt  }
0x75: {  	_ =	shalt  }
0x76: {  	_ =	shalt  }
0x77: {  	_ =	shalt  }
0x78: {  	_ =	shalt  }
0x79: {  	_ =	shalt  }
0x7a: {  	_ =	shalt  }
0x7b: {  	_ =	shalt  }
0x7c: {  	_ =	shalt  }
0x7d: {  	_ =	shalt  }
0x7e: {  	_ =	shalt  }
0x7f: {  	_ =	shalt  }
0x80: {  	_ =	shalt  }
0x81: {  	_ =	shalt  }
0x82: {  	_ =	shalt  }
0x83: {  	_ =	shalt  }
0x84: {  	_ =	shalt  }
0x85: {  	_ =	shalt  }
0x86: {  	_ =	shalt  }
0x87: {  	_ =	shalt  }
.Lfunc_end0:
.L_simem_size_0:
called_computation_lowered:
.L_overlay_start_0:
0x88: {  	s2 =	sld [smem:$0x3FD9]  }
0x89: {  	s3 =	sld [smem:$0x3FFE];
	_ =	sdelay $0x1  }
0x8a: {  	s1 =	srdreg.scid  }
0x8b: {  	s0 =	sand.u32 $0x1, s1  }
0x8c: {  	s14 =	sshll.u32 s0, $0xA;
	s2 =	sadd.s32 s3, s2  }
0x8d: {  	s2 =	sadd.s32 s2, s14  }
0x8e: {  	[smem:$0x3FC6] =	sst s2  }
0x8f: {  	_ = 	snop  }
0x90: {  	s2 =	sld [smem:$0x3FD0];
	_ =	sdelay $0x2  }
0x91: {  	s15 =	simm.s32 $0xA;
	s4 =	simm.s32 $0x10  }
0x92: {  	[smem:s4], [sflag:s15] =	dma.local [hbm:s2], $0x1  }
0x93: {  	_ =	swait.eq [sflag:s15], $0x1  }
0x94: {  	s16 =	sld [smem:$0x10];
	[sflag:s15] =	ssyncset.done $0x0  }
0x95: {  	s17 =	sld [smem:$0x12];
	[sflag:s15] =	ssyncadd.s32 $0xFFFFFFFF  }
0x96: {  	s18 =	sld [smem:$0x13];
	(tm) =	ssettm $0x1  }
0x97: {  	s5 =	sld [smem:$0x3FFB];
	_ =	sdelay $0x3  }
0x98: {  	_ =	strace s5  }
0x99: {  	s5 =	sld [smem:$0x3FFC];
	_ =	sdelay $0x3  }
0x9a: {  	_ =	strace s5  }
0x9b: {  	s5 =	sld [smem:$0x3FFD];
	_ =	sdelay $0x3  }
0x9c: {  	_ =	strace s5  }
0x9d: {  	_ =	strace $0x8FFFFFFF  }
0x9e: {  	s19 =	sld [smem:$0x3FDB];
	_ =	sdelay $0x1  }
0x9f: {  	s6 =	simm.s32 $_scs_section_size  }
0xa0: {  	s7 =	simm.s32 $_size__tile_overlayer_lowered;
	s8 =	simm.s32 $_tile_overlayer_lowered  }
0xa1: {  	s22 =	simm.s32 $0x1BFF;
	s21 =	sshll.u32 s8, $0x1;
	s5 =	sadd.s32 s6, s19  }
0xa2: {  	s9 =	simm.s32 $0x0;
	s20 =	sshll.u32 s7, $0x1;
	s7 =	sadd.s32 s21, s5  }
0xa3: {  	[timem:s9], [sflag:s22] =	dma.local [hbm:s7], s20  }
0xa4: {  	_ =	swait.ge [sflag:s22], s20  }
0xa5: {  	s6 =	ssub.s32 $0x0, s20;
	[sflag:s22] =	ssyncset.done $0x0  }
0xa6: {  	[sflag:s22] =	ssyncadd.s32 s6;
	_ =	sdelay $0x1  }
0xa7: {  	s23 =	simm.s32 $0x1B8B  }
0xa8: {  	_ =	swait.ge [sflag:s23], $0x1  }
0xa9: {  	[sflag:s23] =	ssyncset.done $0x0  }
0xaa: {  	s25 =	simm.s32 $0x1B8E;
	s24 =	sld [smem:$0x3FFE];
	[sflag:s23] =	ssyncadd.s32 $0xFFFFFFFF  }
0xab: {  	s26 =	simm.s32 $execute0_lowered;
	[smem:$0x3FD2] =	sst s25  }
0xac: {  	s7 =	sshll.u32 s26, $0x1;
	_ =	strace $0x80000046;
	[dreg:$0x1] =	wrdreg $0xFFFFFFFF  }
0xad: {  	s28 =	simm.s32 $_size_execute0_lowered;
	s5 =	sadd.s32 s5, s7;
	[dreg:$0x0] =	wrdreg $0x0  }
0xae: {  	s7 =	sshll.u32 s28, $0x1;
	[dreg:$0x2] =	wrdreg s5  }
0xaf: {  	[dreg:$0x3] =	wrdreg s7  }
0xb0: {  	[dreg:$0x4] =	wrdreg $0xC0  }
0xb1: {  	_ =	task [dreg:s9], $0x5FFFF  }
0xb2: {  	[dreg:$0x1] =	wrdreg $0xFFFFFFFF  }
0xb3: {  	[dreg:$0x0] =	wrdreg $0x60  }
0xb4: {  	[dreg:$0x2] =	wrdreg s18  }
0xb5: {  	[dreg:$0x3] =	wrdreg s16  }
0xb6: {  	[dreg:$0x4] =	wrdreg s17  }
0xb7: {  	[dreg:$0x5] =	wrdreg s24  }
0xb8: {  	[dreg:$0x6] =	wrdreg $0x9  }
0xb9: {  	_ =	task.clear_ibuf [dreg:s9], $0x7FFFF;
	_ =	strace $0x90000046  }
0xba: {  	s29 =	simm.s32 $0x9;
	_ =	strace $0x80000048  }
0xbb: {  	_ =	swait.ge [sflag:s29], $0x1  }
0xbc: {  	[sflag:s29] =	ssyncadd.s32 $0xFFFFFFFF  }
0xbd: {  	_ =	strace $0x90000048  }
0xbe: {  	_ =	sfence  }
0xbf: {  	s30 =	sld [smem:$0x0];
	_ =	sdelay $0x2  }
0xc0: {  	s31 =	sshll.u32 s1, $0xD;
	s1 =	sshrl.u32 s1, $0x2  }
0xc1: {  	s3 =	sand.u32 $0x4000, s31;
	s1 =	sadd.s32 s1, s30  }
0xc2: {  	s0 =	sor.u32 s3, s0;
	s1 =	sshll.u32 s1, $0x11  }
0xc3: {  	s0 =	sor.u32 s1, s0  }
0xc4: {  	s0 =	sadd.s32 $0x8F2B, s0  }
0xc5: {  	[sflag:s0] =	ssyncadd.remote.s32 $0x1  }
0xc6: {  	_ =	sfence.sel $0xFFFF  }
0xc7: {  	[dreg:$0x0] =	wrdreg $0xFFFFFFFF;
	(pc) =	sbr.abs _section_cstart, $3  }
0xc8: {  	[dreg:$0x1] =	wrdreg $0xFFFFFFFF  }
0xc9: {  	_ =	task.clear_ibuf [dreg:s9], $0x2FFFF;
	_ =	strace $0x9FFFFFFF  }
0xca: {  	(tm) =	ssettm $0x7FFFFFFF  }
0xcb: {  	_ =	shalt  }
tec
execute0_lowered:
.L_overlay_start_1:
0x0: {  	(tag) =	ssettag $0x1  }
0x1: {  	s5 =	rddreg [dreg:$0x0]  }
0x2: {  	s6 =	rddreg [dreg:$0x1]  }
0x3: {  	s2 =	rddreg [dreg:$0x2];
	s1 =	srdreg.scid  }
0x4: {  	s0 =	stileid.u32;
	s7 =	rddreg [dreg:$0x3]  }
0x5: {  	s3 =	simm.s32 $0x0;
	s12 =	simm.s32 $0x40;
	s13 =	simm.s32 $0x80  }
0x6: {  	s14 =	simm.s32 $0x6C0;
	s15 =	simm.s32 $0xD00;
	s16 =	simm.s32 $0x1340  }
0x7: {  	s17 =	simm.s32 $0x1980;
	s4 =	sand.u32 $0x1, s1;
	s8 =	sshll.u32 s0, $0x1  }
0x8: {  	s18 =	simm.s32 $0x0;
	s1 =	rddreg [dreg:$0x4];
	s8 =	sor.u32 s4, s8  }
0x9: {  	[smem:$0x7FF] =	sst s3;
	s9 =	ssub.s32 $0x2, s4;
	s8 =	smul.u32 $0xC8, s8  }
0xa: {  	_ =	strace $0x80000047;
	s4 =	sadd.s32 $0x1000, s7;
	s31 =	sshrl.u32 s9, $0x1  }
0xb: {  	s11 =	ssub.s32 s9, s31;
	s10 =	sadd.s32 s8, s7;
	s5 =	sadd.s32 s5, s8  }
0xc: {  	s6 =	sadd.s32 s6, s8;
	s7 =	sadd.s32 $0x1200, s10;
	s8 =	sadd.s32 $0x2C00, s10  }
0xd: {  	v0 =	vimm.s32 $0x0;
	s9 =	sadd.s32 $0x4600, s10;
	s10 =	smax.u32 s11, $0x1;
	s11 =	simm.s32 $0x1  }
.LBB2_1:
0xe: {  	[tilespmem:s3], [sflag:$0x1] =	stream.linear.gather [hbm4b:s2+s3], $0x40, $0x38;
	[tilespmem:$0x1FC0] =	vst v63  }
0xf: {  	_ =	swait.ge [sflag:s11], $0x40  }
0x10: {  	[sflag:s11] =	ssyncset.done $0x0  }
0x11: {  	[sflag:s11] =	ssyncadd.s32 $0xFFFFFFC0  }
0x12: {  	[tilespmem:s12], [sflag:$0x1] =	stream.linear.gather [hbm4b:s4+s3], $0x40, $0x38;
	[tilespmem:$0x1FC0] =	vst v63  }
0x13: {  	_ =	swait.ge [sflag:s11], $0x40  }
0x14: {  	[sflag:s11] =	ssyncset.done $0x0  }
0x15: {  	[sflag:s11] =	ssyncadd.s32 $0xFFFFFFC0  }
0x16: {  	[tilespmem:s13], [sflag:$0x1] =	stream.linear.gather [hbm4b:s5+s3], $0x640, $0x38;
	[tilespmem:$0x1FC0] =	vst v63  }
0x17: {  	_ =	swait.ge [sflag:s11], $0x640  }
0x18: {  	[sflag:s11] =	ssyncset.done $0x0  }
0x19: {  	[sflag:s11] =	ssyncadd.s32 $0xFFFFF9C0  }
0x1a: {  	[tilespmem:s14], [sflag:$0x1] =	stream.linear.gather [hbm4b:s6+s3], $0x640, $0x38;
	[tilespmem:$0x1FC0] =	vst v63  }
0x1b: {  	_ =	swait.ge [sflag:s11], $0x640  }
0x1c: {  	[sflag:s11] =	ssyncset.done $0x0  }
0x1d: {  	s19 =	simm.s32 $0x0;
	[sflag:s11] =	ssyncadd.s32 $0xFFFFF9C0  }
0x1e: {  	v1 =	vld [tilespmem:s19+$0x80];
	_ =	sdelay $0x4  }
0x1f: {  	v2 =	vand.u32 $0x3F, v1;
	_ =	sdelay $0x4  }
0x20: {  	v3 =	vld.idx.msk [tilespmem:v2+s3+$0x0], $0xffff  }
0x21: {  	v2 =	vld [tilespmem:s19+$0x6C0];
	_ =	sdelay $0x2  }
0x22: {  	s20 =	simm.s32 $0x10;
	s21 =	simm.s32 $0x80  }
.LBB2_2:
0x23: {  	p0 =	sne.s32 s21, $0x18C0;
	v4 =	vshrl.u32 v1, $0x6;
	v1 =	vld [tilespmem:s20+$0x80]  }
0x24: {  	vm0 =	vlt.s32 v2, v4  }
0x25: {  	v5 =	vsel vm0, $0x1, v0;
	vm0 =	vlt.s32 v4, v2  }
0x26: {  	v3 =	vld.idx.msk [tilespmem:v3+s12+$0x0], $0xffff;
	[tilespmem:s19+$0x1340] =	vst v5;
	v2 =	vsel vm0, v4, v2  }
0x27: {  	[tilespmem:s19+$0x1980] =	vst v2  }
0x28: {  	v2 =	vand.u32 $0x3F, v1;
	_ =	sdelay $0x3  }
0x29: {  	[tilespmem:s19+$0xD00] =	vst v3;
	s19 =	smov.u32 s20  }
.Ltmp0:
0x2a: {  	v3 =	vld.idx.msk [tilespmem:v2+s3+$0x0], $0xffff;
	(pc) =	sbr.rel @p0 .LBB2_2-.Ltmp0, $2  }
0x2b: {  	v2 =	vld [tilespmem:s19+$0x6C0];
	_ =	sdelay $0x2  }
0x2c: {  	s20 =	sshra.s32 s21, $0x2;
	s21 =	sadd.s32 $0x40, s21  }
0x2d: {  	v4 =	vld [tilespmem:s20+$0x80];
	_ =	sdelay $0x3  }
0x2e: {  	v1 =	vshrl.u32 v1, $0x6;
	v3 =	vld.idx.msk [tilespmem:v3+s12+$0x0], $0xffff  }
0x2f: {  	vm0 =	vlt.s32 v2, v1;
	v5 =	vand.u32 $0x3F, v4  }
0x30: {  	vm13 =	vlt.s32 v1, v2;
	v6 =	vsel vm0, $0x1, v0  }
0x31: {  	v1 =	vsel vm13, v1, v2;
	[tilespmem:s19+$0x1340] =	vst v6  }
0x32: {  	[tilespmem:s19+$0x1980] =	vst v1  }
0x33: {  	[tilespmem:s19+$0xD00] =	vst v3  }
0x34: {  	v1 =	vld.idx.msk [tilespmem:v5+s3+$0x0], $0xffff;
	_ =	sdelay $0x3  }
0x35: {  	v2 =	vld [tilespmem:s20+$0x6C0];
	_ =	sdelay $0x3  }
0x36: {  	v3 =	vshrl.u32 v4, $0x6;
	v1 =	vld.idx.msk [tilespmem:v1+s12+$0x0], $0xffff  }
0x37: {  	vm14 =	vlt.s32 v2, v3  }
0x38: {  	vm15 =	vlt.s32 v3, v2;
	v63 =	vsel vm14, $0x1, v0  }
0x39: {  	v2 =	vsel vm15, v3, v2;
	[tilespmem:s20+$0x1340] =	vst v63  }
0x3a: {  	[tilespmem:s20+$0x1980] =	vst v2  }
0x3b: {  	[tilespmem:s20+$0xD00] =	vst v1  }
0x3c: {  	[hbm4b:s7+s3] =	stream.linear.scatter [tilespmem:s15], [sflag:$0x1], $0x640, $0x38;
	[tilespmem:$0x1FC0] =	vst v63  }
0x3d: {  	_ =	swait.ge [sflag:s11], $0x640  }
0x3e: {  	[sflag:s11] =	ssyncset.done $0x0  }
0x3f: {  	[sflag:s11] =	ssyncadd.s32 $0xFFFFF9C0  }
0x40: {  	[hbm4b:s8+s3] =	stream.linear.scatter [tilespmem:s16], [sflag:$0x1], $0x640, $0x38;
	[tilespmem:$0x1FC0] =	vst v63  }
0x41: {  	s18 =	sadd.s32 $0x1, s18;
	_ =	swait.ge [sflag:s11], $0x640  }
0x42: {  	p0 =	sne.s32 s18, s10;
	[sflag:s11] =	ssyncset.done $0x0  }
.Ltmp1:
0x43: {  	[sflag:s11] =	ssyncadd.s32 $0xFFFFF9C0;
	(pc) =	sbr.rel @p0 .LBB2_1-.Ltmp1, $4  }
0x44: {  	[hbm4b:s9+s3] =	stream.linear.scatter [tilespmem:s17], [sflag:$0x1], $0x640, $0x38;
	[tilespmem:$0x1FC0] =	vst v63  }
0x45: {  	_ =	swait.ge [sflag:s11], $0x640  }
0x46: {  	[sflag:s11] =	ssyncset.done $0x0  }
0x47: {  	[sflag:s11] =	ssyncadd.s32 $0xFFFFF9C0  }
0x48: {  	_ =	sfence.sel $0x180000  }
0x49: {  	[bflag:$0x0] =	sbarrier.arrive $0xFFFF  }
0x4a: {  	p0 =	sne.s32 s0, $0x0;
	_ =	strace $0x90000047  }
0x4b: {  	s0 =	sadd.s32 @!p0 $0x100000, s1;
	[bflag:$0x2] =	sbarrier.arrive $0xFFFF  }
0x4c: {  	[sflag:s0] =	ssyncadd.tile.s32 @!p0 $0x1;
	_ =	shalt  }
.Lfunc_end2:
_tile_overlayer_lowered:
.L_overlay_start_2:
0x4d: {  	(tag) =	ssettag $0x2  }
0x4e: {  	s0 =	rddreg [dreg:$0x0];
	s2 =	stileid.u32  }
0x4f: {  	s1 =	rddreg [dreg:$0x1];
	p0 =	sne.s32 s2, $0x0  }
0x50: {  	s3 =	rddreg [dreg:$0x2];
	[bflag:$0x3] =	sbarrier.arrive $0xFFFF;
	s2 =	simm.s32 @!p0 $0x1C01  }
0x51: {  	[timem:s3], [sflag:s2] =	dma.local @!p0 [hbm:s0], s1  }
0x52: {  	s0 =	simm.s32 @!p0 $0x1  }
0x53: {  	_ =	swait.ge @!p0 [sflag:s0], s1  }
0x54: {  	s1 =	ssub.s32 @!p0 $0x0, s1;
	[sflag:s0] =	ssyncset.done @!p0 $0x0  }
0x55: {  	[sflag:s0] =	ssyncadd.s32 @!p0 s1  }
0x56: {  	[bflag:$0x3] =	sbarrier.arrive $0xFFFF  }
0x57: {  	_ =	shalt  }

</sc_bundles>
